<compile_context>
chip_gen: v7x
topology: tpu7x:2x2x1
jax: 0.10.2.dev20260603
libtpu: 0.0.44.dev20260713+nightly
codegen_flags: <defaults>
</compile_context>

<pallas_src>
import jax
import jax.numpy as jnp
from jax import lax
from jax.experimental import pallas as pl
from jax.experimental.pallas import tpu as pltpu
from jax.experimental.pallas import tpu_sc as plsc

N = 10000
E = 320000
D_IN = 128
H = 64
H2 = 2 * H
N2 = N // 2

NC = 2
NS = 16
NW = NC * NS
CB = 128
NCHUNK = E // CB
BASE_CH = NCHUNK // NW
EXTRA_W = NCHUNK - BASE_CH * NW
RPT = N // NS
DEGW = 8
ND = 10240
RPTD = ND // NS
BR = 2000
BR2 = BR // 2

_MESH = plsc.VectorSubcoreMesh(
    core_axis_name="c", subcore_axis_name="s",
    num_cores=NC, num_subcores=NS)
_SC_PARAMS = pltpu.CompilerParams(use_tc_tiling_on_sc=False)


def _worker_chunks(wid):
    start = BASE_CH * wid + jnp.maximum(wid - (NW - EXTRA_W), 0)
    has_extra = wid >= NW - EXTRA_W
    return start, has_extra


def _deg_body(e_hbm, z8_hbm, ones_hbm, degp_hbm, dst_v, ones_v, deg_sh,
              gsem):
    cid = lax.axis_index("c")
    sid = lax.axis_index("s")
    wid = sid * NC + cid
    based = sid * RPTD
    start, has_extra = _worker_chunks(wid)

    pltpu.sync_copy(z8_hbm, deg_sh.at[pl.ds(based, RPTD)])
    pltpu.sync_copy(ones_hbm, ones_v)
    pltpu.sync_copy(e_hbm.at[1, pl.ds(start, BASE_CH + 1)], dst_v)
    plsc.subcore_barrier()

    def _scat(j):
        pltpu.async_copy(ones_v, deg_sh.at[dst_v.at[j]], gsem, add=True)

    def _swait():
        pltpu.make_async_copy(ones_v, deg_sh.at[dst_v.at[0]], gsem).wait()

    _scat(0)

    def _step(j, _):
        _scat(j + 1)
        _swait()
        return 0
    lax.fori_loop(0, BASE_CH - 1, _step, 0)
    _swait()

    @pl.when(has_extra)
    def _tail():
        pltpu.async_copy(ones_v, deg_sh.at[dst_v.at[BASE_CH]], gsem,
                         add=True).wait()

    plsc.subcore_barrier()
    pltpu.sync_copy(deg_sh.at[pl.ds(based, RPTD)],
                    degp_hbm.at[cid, pl.ds(based, RPTD)])


_deg_seg = pl.kernel(
    _deg_body,
    out_type=jax.ShapeDtypeStruct((NC, ND, DEGW), jnp.float32),
    mesh=_MESH,
    scratch_types=[
        pltpu.VMEM((BASE_CH + 1, CB), jnp.int32),
        pltpu.VMEM((CB, DEGW), jnp.float32),
        pltpu.VMEM_SHARED((ND, DEGW), jnp.float32),
        pltpu.SemaphoreType.DMA,
    ],
    compiler_params=_SC_PARAMS)


def _make_seg(echo_h):
    agg_ty = jax.ShapeDtypeStruct((NC, N, H), jnp.float32)
    if echo_h:
        out_type = (agg_ty, jax.ShapeDtypeStruct((N, H), jnp.float32))
    else:
        out_type = agg_ty
    scratch = [
        pltpu.VMEM((BASE_CH + 1, CB), jnp.int32),
        pltpu.VMEM((BASE_CH + 1, CB), jnp.int32),
        pltpu.VMEM((CB, H), jnp.float32),
        pltpu.VMEM((CB, H), jnp.float32),
        pltpu.VMEM((CB, H), jnp.float32),
        pltpu.VMEM_SHARED((N, H), jnp.float32),
        pltpu.VMEM_SHARED((N, H), jnp.float32),
        pltpu.SemaphoreType.DMA,
        pltpu.SemaphoreType.DMA,
        pltpu.SemaphoreType.DMA,
    ]

    def body(*refs):
        if echo_h:
            (h_hbm, e_hbm, z64_hbm, aggp_hbm, echo_hbm,
             src_v, dst_v, rows0, rows1, rows2, agg_sh, h_sh,
             sem0, sem1, sem2) = refs
        else:
            (h_hbm, e_hbm, z64_hbm, aggp_hbm,
             src_v, dst_v, rows0, rows1, rows2, agg_sh, h_sh,
             sem0, sem1, sem2) = refs
            echo_hbm = None

        cid = lax.axis_index("c")
        sid = lax.axis_index("s")
        wid = sid * NC + cid
        base = sid * RPT
        start, has_extra = _worker_chunks(wid)

        pltpu.sync_copy(z64_hbm, agg_sh.at[pl.ds(base, RPT)])
        pltpu.sync_copy(e_hbm.at[0, pl.ds(start, BASE_CH + 1)], src_v)
        pltpu.sync_copy(e_hbm.at[1, pl.ds(start, BASE_CH + 1)], dst_v)
        pltpu.sync_copy(h_hbm.at[pl.ds(base, RPT)], h_sh.at[pl.ds(base, RPT)])

        plsc.subcore_barrier()

        def _gather(j, buf, sem):
            pltpu.async_copy(h_sh.at[src_v.at[j]], buf, sem)

        def _gwait(buf, sem):
            pltpu.make_async_copy(h_sh.at[src_v.at[0]], buf, sem).wait()

        def _scatter(j, buf):
            pltpu.sync_copy(buf, agg_sh.at[dst_v.at[j]], add=True)

        _gather(0, rows0, sem0)
        _gather(1, rows1, sem1)

        def _chunk3(t, _):
            j0 = 3 * t
            _gwait(rows0, sem0)
            _gather(j0 + 2, rows2, sem2)
            _scatter(j0, rows0)
            _gwait(rows1, sem1)
            _gather(jnp.minimum(j0 + 3, BASE_CH - 1), rows0, sem0)
            _scatter(j0 + 1, rows1)
            _gwait(rows2, sem2)
            _gather(jnp.minimum(j0 + 4, BASE_CH - 1), rows1, sem1)
            _scatter(j0 + 2, rows2)
            return 0
        lax.fori_loop(0, BASE_CH // 3, _chunk3, 0)
        _gwait(rows0, sem0)
        _gwait(rows1, sem1)

        @pl.when(has_extra)
        def _tail():
            pltpu.async_copy(h_sh.at[src_v.at[BASE_CH]], rows0,
                             sem0).wait()
            _scatter(BASE_CH, rows0)

        plsc.subcore_barrier()

        pltpu.sync_copy(agg_sh.at[pl.ds(base, RPT)],
                        aggp_hbm.at[cid, pl.ds(base, RPT)])
        if echo_h:
            @pl.when(cid == 0)
            def _echo():
                pltpu.sync_copy(h_sh.at[pl.ds(base, RPT)],
                                echo_hbm.at[pl.ds(base, RPT)])

    return pl.kernel(body, out_type=out_type, mesh=_MESH,
                     scratch_types=scratch, compiler_params=_SC_PARAMS)


_seg_echo = _make_seg(True)
_seg_plain = _make_seg(False)


def _proj_body(x_ref, w_ref, b_ref, o_ref):
    o_ref[...] = jnp.maximum(
        jnp.dot(x_ref[...], w_ref[...], preferred_element_type=jnp.float32)
        + b_ref[...], 0.0)


def _inv_body(degp_ref, o_ref):
    o_ref[...] = jnp.maximum(degp_ref[0] + degp_ref[1], 1.0)


def _pair_mean(aggp_ref, inv_ref):
    a = aggp_ref[0] + aggp_ref[1]
    iv = inv_ref[...]
    degb = jnp.concatenate(
        [jnp.broadcast_to(iv[:, 0:1], (a.shape[0], H)),
         jnp.broadcast_to(iv[:, DEGW:DEGW + 1], (a.shape[0], H))], axis=1)
    return a / degb


def _upd_body(aggp_ref, inv_ref, h_ref, wl_ref, bl_ref, wr_ref, o_ref):
    mean2 = _pair_mean(aggp_ref, inv_ref)
    o_ref[...] = jnp.maximum(
        jnp.dot(mean2, wl_ref[...], preferred_element_type=jnp.float32)
        + jnp.dot(h_ref[...], wr_ref[...], preferred_element_type=jnp.float32)
        + bl_ref[...], 0.0)


def _head_body(aggp_ref, inv_ref, h_ref, wl_ref, bl_ref, wr_ref,
               wc_ref, bc_ref, o_ref):
    mean2 = _pair_mean(aggp_ref, inv_ref)
    h2 = jnp.maximum(
        jnp.dot(mean2, wl_ref[...], preferred_element_type=jnp.float32)
        + jnp.dot(h_ref[...], wr_ref[...], preferred_element_type=jnp.float32)
        + bl_ref[...], 0.0)
    o_ref[...] = (
        jnp.dot(h2, wc_ref[...], preferred_element_type=jnp.float32)
        + bc_ref[0, 0])


def _full(shape):
    return pl.BlockSpec(shape, lambda i: tuple(0 for _ in shape))


def _blockdiag(w):
    z = jnp.zeros((H, H), jnp.float32)
    return jnp.concatenate(
        [jnp.concatenate([w, z], axis=1),
         jnp.concatenate([z, w], axis=1)], axis=0)


def kernel(x, edge_index, W_proj, b_proj, Wl1, bl1, Wr1, Wl2, bl2, Wr2,
           Wc, bc):
    e3 = edge_index.reshape(2, NCHUNK, CB)
    z64 = jnp.zeros((RPT, H), jnp.float32)
    z8 = jnp.zeros((RPTD, DEGW), jnp.float32)
    ones = jnp.ones((CB, DEGW), jnp.float32)

    degp = _deg_seg(e3, z8, ones)

    grid = (N // BR,)
    h = pl.pallas_call(
        _proj_body,
        grid=grid,
        in_specs=[pl.BlockSpec((BR, D_IN), lambda i: (i, 0)),
                  _full((D_IN, H)), _full((1, H))],
        out_specs=pl.BlockSpec((BR, H), lambda i: (i, 0)),
        out_shape=jax.ShapeDtypeStruct((N, H), jnp.float32),
    )(x, W_proj, b_proj.reshape(1, H))

    inv128 = pl.pallas_call(
        _inv_body,
        grid=(1,),
        in_specs=[_full((NC, ND * DEGW // H2, H2))],
        out_specs=pl.BlockSpec((ND * DEGW // H2, H2), lambda i: (0, 0)),
        out_shape=jax.ShapeDtypeStruct((ND * DEGW // H2, H2), jnp.float32),
    )(degp.reshape(NC, ND * DEGW // H2, H2))
    inv16 = inv128.reshape(ND // 2, 2 * DEGW)

    aggp1, h_echo = _seg_echo(h, e3, z64)

    aggp2_spec = pl.BlockSpec((NC, BR2, H2), lambda i: (0, i, 0))
    inv_spec = pl.BlockSpec((BR2, 2 * DEGW), lambda i: (i, 0))
    row2_spec = pl.BlockSpec((BR2, H2), lambda i: (i, 0))

    h1_2d = pl.pallas_call(
        _upd_body,
        grid=grid,
        in_specs=[aggp2_spec, inv_spec, row2_spec,
                  _full((H2, H2)), _full((1, H2)), _full((H2, H2))],
        out_specs=row2_spec,
        out_shape=jax.ShapeDtypeStruct((N2, H2), jnp.float32),
    )(aggp1.reshape(NC, N2, H2), inv16, h_echo.reshape(N2, H2),
      _blockdiag(Wl1), jnp.concatenate([bl1, bl1]).reshape(1, H2),
      _blockdiag(Wr1))

    aggp2 = _seg_plain(h1_2d.reshape(N, H), e3, z64)

    out2 = pl.pallas_call(
        _head_body,
        grid=grid,
        in_specs=[aggp2_spec, inv_spec, row2_spec,
                  _full((H2, H2)), _full((1, H2)), _full((H2, H2)),
                  _full((H2, 2)), _full((1, 1))],
        out_specs=pl.BlockSpec((BR2, 2), lambda i: (i, 0)),
        out_shape=jax.ShapeDtypeStruct((N2, 2), jnp.float32),
    )(aggp2.reshape(NC, N2, H2), inv16, h1_2d,
      _blockdiag(Wl2), jnp.concatenate([bl2, bl2]).reshape(1, H2),
      _blockdiag(Wr2),
      jnp.concatenate(
          [jnp.concatenate([Wc, jnp.zeros((H, 1))], axis=1),
           jnp.concatenate([jnp.zeros((H, 1)), Wc], axis=1)], axis=0),
      bc.reshape(1, 1))

    return out2.reshape(N)

# --- scband reference (transcript-rebuilt; emitter-appended) ---
"""Pipeline reference for scband-graph-sagenode-baseline-1065151889634 (READ-ONLY COPY).

The authoritative reference and input builder live on the scoring server;
editing this copy changes nothing except your own understanding.
"""

import jax, jax.numpy as jnp
import numpy as np

N = 10000
E = 320000
D_IN = 128
H = 64


def _linear_init(key, fan_in, fan_out):
    k1, k2 = jax.random.split(key)
    bound = 1.0 / np.sqrt(fan_in)
    W = jax.random.uniform(k1, (fan_in, fan_out), jnp.float32, -bound, bound)
    b = jax.random.uniform(k2, (fan_out,), jnp.float32, -bound, bound)
    return W, b


def setup_inputs(seed: int = 0) -> dict:
    key = jax.random.key(seed)
    ks = jax.random.split(key, 8)
    x = jax.random.normal(ks[0], (N, D_IN), dtype=jnp.float32)
    edge_index = jax.random.randint(ks[1], (2, E), 0, N, dtype=jnp.int32)
    W_proj, b_proj = _linear_init(ks[2], D_IN, H)
    Wl1, bl1 = _linear_init(ks[3], H, H)
    Wr1, _ = _linear_init(ks[4], H, H)
    Wl2, bl2 = _linear_init(ks[5], H, H)
    Wr2, _ = _linear_init(ks[6], H, H)
    Wc, bc = _linear_init(ks[7], H, 1)
    return {
        'x': x, 'edge_index': edge_index,
        'W_proj': W_proj, 'b_proj': b_proj,
        'Wl1': Wl1, 'bl1': bl1, 'Wr1': Wr1,
        'Wl2': Wl2, 'bl2': bl2, 'Wr2': Wr2,
        'Wc': Wc, 'bc': bc,
    }


def _sage_conv(h, edge_index, Wl, bl, Wr):
    # PyG SAGEConv (aggr='mean'): out = lin_l(mean_{j in N(i)} x_j) + lin_r(x_i)
    src = edge_index[0]
    dst = edge_index[1]
    msgs = jnp.take(h, src, axis=0)
    agg = jax.ops.segment_sum(msgs, dst, num_segments=N)
    deg = jax.ops.segment_sum(jnp.ones((msgs.shape[0],), jnp.float32), dst, num_segments=N)
    mean = agg / jnp.clip(deg, 1.0, None)[:, None]
    return mean @ Wl + bl + h @ Wr


def reference(x, edge_index, W_proj, b_proj, Wl1, bl1, Wr1, Wl2, bl2, Wr2, Wc, bc):
    h = jax.nn.relu(x @ W_proj + b_proj)
    h = jax.nn.relu(_sage_conv(h, edge_index, Wl1, bl1, Wr1))
    h = jax.nn.relu(_sage_conv(h, edge_index, Wl2, bl2, Wr2))
    out = (h @ Wc + bc).squeeze(-1)
    return out

if __name__ == "__main__":
    import jax
    _d = setup_inputs()
    print(jax.jit(kernel)(*tuple(_d.values())))

</pallas_src>

<mosaic_0001>
#map = affine_map<(d0, d1) -> (0, 0)>
#map1 = affine_map<(d0, d1) -> (0, 0, 0)>
module attributes {stable_mosaic.version = 14 : i64} {
  func.func @body(%arg0: i32, %arg1: i32, %arg2: memref<10000x64xf32, #tpu.memory_space<hbm>>, %arg3: memref<2x2500x128xi32, #tpu.memory_space<hbm>>, %arg4: memref<625x64xf32, #tpu.memory_space<hbm>>, %arg5: memref<2x10000x64xf32, #tpu.memory_space<hbm>>, %arg6: memref<10000x64xf32, #tpu.memory_space<hbm>>, %arg7: memref<79x128xi32, #tpu.memory_space<vmem>>, %arg8: memref<79x128xi32, #tpu.memory_space<vmem>>, %arg9: memref<128x64xf32, #tpu.memory_space<vmem>>, %arg10: memref<128x64xf32, #tpu.memory_space<vmem>>, %arg11: memref<128x64xf32, #tpu.memory_space<vmem>>, %arg12: memref<10000x64xf32, #tpu.memory_space<vmem_shared>>, %arg13: memref<10000x64xf32, #tpu.memory_space<vmem_shared>>, %arg14: memref<!tpu.dma_semaphore, #tpu.memory_space<semaphore_mem>>, %arg15: memref<!tpu.dma_semaphore, #tpu.memory_space<semaphore_mem>>, %arg16: memref<!tpu.dma_semaphore, #tpu.memory_space<semaphore_mem>>) attributes {dimension_semantics = [#tpu.dimension_semantics<core_parallel>, #tpu.dimension_semantics<subcore_parallel>], iteration_bounds = array<i64: 2, 16>, scalar_prefetch = 0 : i64, scratch_operands = 10 : i64, tpu.core_type = #tpu.core_type<sc_vector_subcore>, window_params = [{transform_indices = #map}, {transform_indices = #map1}, {transform_indices = #map}, {transform_indices = #map1}, {transform_indices = #map}]} {
    %mul3A = arith.constant 2 : i32
    %mul3A_0 = arith.muli %arg1, %mul3A : i32
    %add3A = arith.addi %mul3A_0, %arg0 : i32
    %mul3A_1 = arith.constant 625 : i32
    %mul3A_2 = arith.muli %arg1, %mul3A_1 : i32
    %mul3A_3 = arith.constant 78 : i32
    %mul3A_4 = arith.muli %mul3A_3, %add3A : i32
    %sub3A = arith.constant 28 : i32
    %sub3A_5 = arith.subi %add3A, %sub3A : i32
    %max3A = arith.constant 0 : i32
    %max3A_6 = arith.maxsi %sub3A_5, %max3A : i32
    %add3A_7 = arith.addi %mul3A_4, %max3A_6 : i32
    %ge3A = arith.constant 28 : i32
    %ge3A_8 = arith.cmpi sge, %add3A, %ge3A : i32
    "tpu.region"() ({
      %run_scoped3A_48 = tpu.sem_alloc : memref<!tpu.dma_semaphore, #tpu.memory_space<semaphore_mem>>
      %dma_start3A_49 = arith.constant 0 : i32
      %dma_start3A_50 = tpu.memref_slice %arg12[%mul3A_2, %dma_start3A_49] : memref<10000x64xf32, #tpu.memory_space<vmem_shared>> -> memref<625x64xf32, #tpu.memory_space<vmem_shared>>
      tpu.enqueue_dma source(%arg4 : memref<625x64xf32, #tpu.memory_space<hbm>>) target(%dma_start3A_50 : memref<625x64xf32, #tpu.memory_space<vmem_shared>>) target_semaphore(%run_scoped3A_48 : memref<!tpu.dma_semaphore, #tpu.memory_space<semaphore_mem>>)
      %dma_wait3A_51 = arith.constant 0 : i32
      %dma_wait3A_52 = tpu.memref_slice %arg12[%mul3A_2, %dma_wait3A_51] : memref<10000x64xf32, #tpu.memory_space<vmem_shared>> -> memref<625x64xf32, #tpu.memory_space<vmem_shared>>
      tpu.wait_dma2 semaphore(%run_scoped3A_48 : memref<!tpu.dma_semaphore, #tpu.memory_space<semaphore_mem>>) src(%arg4 : memref<625x64xf32, #tpu.memory_space<hbm>>) dst(%dma_wait3A_52 : memref<625x64xf32, #tpu.memory_space<vmem_shared>>)
      tpu.yield
    }) : () -> ()
    %run_scoped3A = arith.constant 0 : i32
    "tpu.region"() ({
      %run_scoped3A_48 = tpu.sem_alloc : memref<!tpu.dma_semaphore, #tpu.memory_space<semaphore_mem>>
      %dma_start3A_49 = arith.constant 0 : i32
      %dma_start3A_50 = tpu.memref_slice %arg3[%run_scoped3A, %add3A_7, %dma_start3A_49] : memref<2x2500x128xi32, #tpu.memory_space<hbm>> -> memref<1x79x128xi32, #tpu.memory_space<hbm>>
      %dma_start3A_51 = tpu.memref_squeeze %dma_start3A_50 : memref<1x79x128xi32, #tpu.memory_space<hbm>> -> memref<79x128xi32, #tpu.memory_space<hbm>>
      %dma_start3A_52 = arith.constant 0 : i32
      %dma_start3A_53 = tpu.memref_slice %arg3[%run_scoped3A, %add3A_7, %dma_start3A_52] : memref<2x2500x128xi32, #tpu.memory_space<hbm>> -> memref<1x79x128xi32, #tpu.memory_space<hbm>>
      %dma_start3A_54 = tpu.memref_squeeze %dma_start3A_53 : memref<1x79x128xi32, #tpu.memory_space<hbm>> -> memref<79x128xi32, #tpu.memory_space<hbm>>
      tpu.enqueue_dma source(%dma_start3A_54 : memref<79x128xi32, #tpu.memory_space<hbm>>) target(%arg7 : memref<79x128xi32, #tpu.memory_space<vmem>>) target_semaphore(%run_scoped3A_48 : memref<!tpu.dma_semaphore, #tpu.memory_space<semaphore_mem>>)
      %dma_wait3A_55 = arith.constant 0 : i32
      %dma_wait3A_56 = tpu.memref_slice %arg3[%run_scoped3A, %add3A_7, %dma_wait3A_55] : memref<2x2500x128xi32, #tpu.memory_space<hbm>> -> memref<1x79x128xi32, #tpu.memory_space<hbm>>
      %dma_wait3A_57 = tpu.memref_squeeze %dma_wait3A_56 : memref<1x79x128xi32, #tpu.memory_space<hbm>> -> memref<79x128xi32, #tpu.memory_space<hbm>>
      %dma_wait3A_58 = arith.constant 0 : i32
      %dma_wait3A_59 = tpu.memref_slice %arg3[%run_scoped3A, %add3A_7, %dma_wait3A_58] : memref<2x2500x128xi32, #tpu.memory_space<hbm>> -> memref<1x79x128xi32, #tpu.memory_space<hbm>>
      %dma_wait3A_60 = tpu.memref_squeeze %dma_wait3A_59 : memref<1x79x128xi32, #tpu.memory_space<hbm>> -> memref<79x128xi32, #tpu.memory_space<hbm>>
      tpu.wait_dma2 semaphore(%run_scoped3A_48 : memref<!tpu.dma_semaphore, #tpu.memory_space<semaphore_mem>>) src(%dma_wait3A_60 : memref<79x128xi32, #tpu.memory_space<hbm>>) dst(%arg7 : memref<79x128xi32, #tpu.memory_space<vmem>>)
      tpu.yield
    }) : () -> ()
    %run_scoped3A_9 = arith.constant 1 : i32
    "tpu.region"() ({
      %run_scoped3A_48 = tpu.sem_alloc : memref<!tpu.dma_semaphore, #tpu.memory_space<semaphore_mem>>
      %dma_start3A_49 = arith.constant 0 : i32
      %dma_start3A_50 = tpu.memref_slice %arg3[%run_scoped3A_9, %add3A_7, %dma_start3A_49] : memref<2x2500x128xi32, #tpu.memory_space<hbm>> -> memref<1x79x128xi32, #tpu.memory_space<hbm>>
      %dma_start3A_51 = tpu.memref_squeeze %dma_start3A_50 : memref<1x79x128xi32, #tpu.memory_space<hbm>> -> memref<79x128xi32, #tpu.memory_space<hbm>>
      %dma_start3A_52 = arith.constant 0 : i32
      %dma_start3A_53 = tpu.memref_slice %arg3[%run_scoped3A_9, %add3A_7, %dma_start3A_52] : memref<2x2500x128xi32, #tpu.memory_space<hbm>> -> memref<1x79x128xi32, #tpu.memory_space<hbm>>
      %dma_start3A_54 = tpu.memref_squeeze %dma_start3A_53 : memref<1x79x128xi32, #tpu.memory_space<hbm>> -> memref<79x128xi32, #tpu.memory_space<hbm>>
      tpu.enqueue_dma source(%dma_start3A_54 : memref<79x128xi32, #tpu.memory_space<hbm>>) target(%arg8 : memref<79x128xi32, #tpu.memory_space<vmem>>) target_semaphore(%run_scoped3A_48 : memref<!tpu.dma_semaphore, #tpu.memory_space<semaphore_mem>>)
      %dma_wait3A_55 = arith.constant 0 : i32
      %dma_wait3A_56 = tpu.memref_slice %arg3[%run_scoped3A_9, %add3A_7, %dma_wait3A_55] : memref<2x2500x128xi32, #tpu.memory_space<hbm>> -> memref<1x79x128xi32, #tpu.memory_space<hbm>>
      %dma_wait3A_57 = tpu.memref_squeeze %dma_wait3A_56 : memref<1x79x128xi32, #tpu.memory_space<hbm>> -> memref<79x128xi32, #tpu.memory_space<hbm>>
      %dma_wait3A_58 = arith.constant 0 : i32
      %dma_wait3A_59 = tpu.memref_slice %arg3[%run_scoped3A_9, %add3A_7, %dma_wait3A_58] : memref<2x2500x128xi32, #tpu.memory_space<hbm>> -> memref<1x79x128xi32, #tpu.memory_space<hbm>>
      %dma_wait3A_60 = tpu.memref_squeeze %dma_wait3A_59 : memref<1x79x128xi32, #tpu.memory_space<hbm>> -> memref<79x128xi32, #tpu.memory_space<hbm>>
      tpu.wait_dma2 semaphore(%run_scoped3A_48 : memref<!tpu.dma_semaphore, #tpu.memory_space<semaphore_mem>>) src(%dma_wait3A_60 : memref<79x128xi32, #tpu.memory_space<hbm>>) dst(%arg8 : memref<79x128xi32, #tpu.memory_space<vmem>>)
      tpu.yield
    }) : () -> ()
    "tpu.region"() ({
      %run_scoped3A_48 = tpu.sem_alloc : memref<!tpu.dma_semaphore, #tpu.memory_space<semaphore_mem>>
      %dma_start3A_49 = arith.constant 0 : i32
      %dma_start3A_50 = tpu.memref_slice %arg13[%mul3A_2, %dma_start3A_49] : memref<10000x64xf32, #tpu.memory_space<vmem_shared>> -> memref<625x64xf32, #tpu.memory_space<vmem_shared>>
      %dma_start3A_51 = arith.constant 0 : i32
      %dma_start3A_52 = tpu.memref_slice %arg2[%mul3A_2, %dma_start3A_51] : memref<10000x64xf32, #tpu.memory_space<hbm>> -> memref<625x64xf32, #tpu.memory_space<hbm>>
      tpu.enqueue_dma source(%dma_start3A_52 : memref<625x64xf32, #tpu.memory_space<hbm>>) target(%dma_start3A_50 : memref<625x64xf32, #tpu.memory_space<vmem_shared>>) target_semaphore(%run_scoped3A_48 : memref<!tpu.dma_semaphore, #tpu.memory_space<semaphore_mem>>)
      %dma_wait3A_53 = arith.constant 0 : i32
      %dma_wait3A_54 = tpu.memref_slice %arg13[%mul3A_2, %dma_wait3A_53] : memref<10000x64xf32, #tpu.memory_space<vmem_shared>> -> memref<625x64xf32, #tpu.memory_space<vmem_shared>>
      %dma_wait3A_55 = arith.constant 0 : i32
      %dma_wait3A_56 = tpu.memref_slice %arg2[%mul3A_2, %dma_wait3A_55] : memref<10000x64xf32, #tpu.memory_space<hbm>> -> memref<625x64xf32, #tpu.memory_space<hbm>>
      tpu.wait_dma2 semaphore(%run_scoped3A_48 : memref<!tpu.dma_semaphore, #tpu.memory_space<semaphore_mem>>) src(%dma_wait3A_56 : memref<625x64xf32, #tpu.memory_space<hbm>>) dst(%dma_wait3A_54 : memref<625x64xf32, #tpu.memory_space<vmem_shared>>)
      tpu.yield
    }) : () -> ()
    %barrier3A = arith.constant 0 : index
    tpu.barrier barrier_id(%barrier3A)
    %dma_start3A = arith.constant 0 : i32
    %dma_start3A_10 = arith.constant 0 : i32
    %dma_start3A_11 = tpu.memref_slice %arg7[%dma_start3A, %dma_start3A_10] : memref<79x128xi32, #tpu.memory_space<vmem>> -> memref<1x128xi32, #tpu.memory_space<vmem>>
    %dma_start3A_12 = tpu.memref_squeeze %dma_start3A_11 : memref<1x128xi32, #tpu.memory_space<vmem>> -> memref<128xi32, #tpu.memory_space<vmem>>
    %dma_start3A_13 = arith.constant 0 : i32
    %dma_start3A_14 = arith.constant 0 : i32
    %dma_start3A_15 = tpu.memref_slice %arg13[%dma_start3A_13, %dma_start3A_14] : memref<10000x64xf32, #tpu.memory_space<vmem_shared>> -> memref<10000x64xf32, #tpu.memory_space<vmem_shared>>
    tpu.enqueue_indirect_dma source(%dma_start3A_15 : memref<10000x64xf32, #tpu.memory_space<vmem_shared>>) target(%arg9 : memref<128x64xf32, #tpu.memory_space<vmem>>) offsets(%dma_start3A_12 : memref<128xi32, #tpu.memory_space<vmem>>) semaphore(%arg14 : memref<!tpu.dma_semaphore, #tpu.memory_space<semaphore_mem>>)
    %dma_start3A_16 = arith.constant 1 : i32
    %dma_start3A_17 = arith.constant 0 : i32
    %dma_start3A_18 = tpu.memref_slice %arg7[%dma_start3A_16, %dma_start3A_17] : memref<79x128xi32, #tpu.memory_space<vmem>> -> memref<1x128xi32, #tpu.memory_space<vmem>>
    %dma_start3A_19 = tpu.memref_squeeze %dma_start3A_18 : memref<1x128xi32, #tpu.memory_space<vmem>> -> memref<128xi32, #tpu.memory_space<vmem>>
    %dma_start3A_20 = arith.constant 0 : i32
    %dma_start3A_21 = arith.constant 0 : i32
    %dma_start3A_22 = tpu.memref_slice %arg13[%dma_start3A_20, %dma_start3A_21] : memref<10000x64xf32, #tpu.memory_space<vmem_shared>> -> memref<10000x64xf32, #tpu.memory_space<vmem_shared>>
    tpu.enqueue_indirect_dma source(%dma_start3A_22 : memref<10000x64xf32, #tpu.memory_space<vmem_shared>>) target(%arg10 : memref<128x64xf32, #tpu.memory_space<vmem>>) offsets(%dma_start3A_19 : memref<128xi32, #tpu.memory_space<vmem>>) semaphore(%arg15 : memref<!tpu.dma_semaphore, #tpu.memory_space<semaphore_mem>>)
    %scan3A = arith.constant 0 : i32
    %scan3A_23 = arith.constant 0 : i32
    %scan3A_24 = arith.constant 26 : i32
    %scan3A_25 = arith.addi %scan3A_23, %scan3A_24 : i32
    %scan3A_26 = arith.constant 1 : i32
    %scan3A_27 = scf.for %scan3A_48 = %scan3A_23 to %scan3A_25 step %scan3A_26 iter_args(%scan3A_49 = %scan3A) -> (i32)  : i32 {
      %mul3A_50 = arith.constant 3 : i32
      %mul3A_51 = arith.muli %mul3A_50, %scan3A_48 : i32
      %dma_wait3A_52 = arith.constant 0 : i32
      %dma_wait3A_53 = arith.constant 0 : i32
      %dma_wait3A_54 = tpu.memref_slice %arg7[%dma_wait3A_52, %dma_wait3A_53] : memref<79x128xi32, #tpu.memory_space<vmem>> -> memref<1x128xi32, #tpu.memory_space<vmem>>
      %dma_wait3A_55 = tpu.memref_squeeze %dma_wait3A_54 : memref<1x128xi32, #tpu.memory_space<vmem>> -> memref<128xi32, #tpu.memory_space<vmem>>
      %dma_wait3A_56 = arith.constant 0 : i32
      %dma_wait3A_57 = arith.constant 0 : i32
      %dma_wait3A_58 = tpu.memref_slice %arg13[%dma_wait3A_56, %dma_wait3A_57] : memref<10000x64xf32, #tpu.memory_space<vmem_shared>> -> memref<10000x64xf32, #tpu.memory_space<vmem_shared>>
      tpu.wait_indirect_dma semaphore(%arg14 : memref<!tpu.dma_semaphore, #tpu.memory_space<semaphore_mem>>) src(%dma_wait3A_58 : memref<10000x64xf32, #tpu.memory_space<vmem_shared>>) dst(%arg9 : memref<128x64xf32, #tpu.memory_space<vmem>>)
      %add3A_59 = arith.constant 2 : i32
      %add3A_60 = arith.addi %mul3A_51, %add3A_59 : i32
      %dma_start3A_61 = arith.constant 0 : i32
      %dma_start3A_62 = tpu.memref_slice %arg7[%add3A_60, %dma_start3A_61] : memref<79x128xi32, #tpu.memory_space<vmem>> -> memref<1x128xi32, #tpu.memory_space<vmem>>
      %dma_start3A_63 = tpu.memref_squeeze %dma_start3A_62 : memref<1x128xi32, #tpu.memory_space<vmem>> -> memref<128xi32, #tpu.memory_space<vmem>>
      %dma_start3A_64 = arith.constant 0 : i32
      %dma_start3A_65 = arith.constant 0 : i32
      %dma_start3A_66 = tpu.memref_slice %arg13[%dma_start3A_64, %dma_start3A_65] : memref<10000x64xf32, #tpu.memory_space<vmem_shared>> -> memref<10000x64xf32, #tpu.memory_space<vmem_shared>>
      tpu.enqueue_indirect_dma source(%dma_start3A_66 : memref<10000x64xf32, #tpu.memory_space<vmem_shared>>) target(%arg11 : memref<128x64xf32, #tpu.memory_space<vmem>>) offsets(%dma_start3A_63 : memref<128xi32, #tpu.memory_space<vmem>>) semaphore(%arg16 : memref<!tpu.dma_semaphore, #tpu.memory_space<semaphore_mem>>)
      "tpu.region"() ({
        %run_scoped3A_105 = tpu.sem_alloc : memref<!tpu.dma_semaphore, #tpu.memory_space<semaphore_mem>>
        %dma_start3A_106 = arith.constant 0 : i32
        %dma_start3A_107 = tpu.memref_slice %arg8[%mul3A_51, %dma_start3A_106] : memref<79x128xi32, #tpu.memory_space<vmem>> -> memref<1x128xi32, #tpu.memory_space<vmem>>
        %dma_start3A_108 = tpu.memref_squeeze %dma_start3A_107 : memref<1x128xi32, #tpu.memory_space<vmem>> -> memref<128xi32, #tpu.memory_space<vmem>>
        %dma_start3A_109 = arith.constant 0 : i32
        %dma_start3A_110 = arith.constant 0 : i32
        %dma_start3A_111 = tpu.memref_slice %arg12[%dma_start3A_109, %dma_start3A_110] : memref<10000x64xf32, #tpu.memory_space<vmem_shared>> -> memref<10000x64xf32, #tpu.memory_space<vmem_shared>>
        tpu.enqueue_indirect_dma source(%arg9 : memref<128x64xf32, #tpu.memory_space<vmem>>) target(%dma_start3A_111 : memref<10000x64xf32, #tpu.memory_space<vmem_shared>>) offsets(%dma_start3A_108 : memref<128xi32, #tpu.memory_space<vmem>>) semaphore(%run_scoped3A_105 : memref<!tpu.dma_semaphore, #tpu.memory_space<semaphore_mem>>) {add = true}
        %dma_wait3A_112 = arith.constant 0 : i32
        %dma_wait3A_113 = tpu.memref_slice %arg8[%mul3A_51, %dma_wait3A_112] : memref<79x128xi32, #tpu.memory_space<vmem>> -> memref<1x128xi32, #tpu.memory_space<vmem>>
        %dma_wait3A_114 = tpu.memref_squeeze %dma_wait3A_113 : memref<1x128xi32, #tpu.memory_space<vmem>> -> memref<128xi32, #tpu.memory_space<vmem>>
        %dma_wait3A_115 = arith.constant 0 : i32
        %dma_wait3A_116 = arith.constant 0 : i32
        %dma_wait3A_117 = tpu.memref_slice %arg12[%dma_wait3A_115, %dma_wait3A_116] : memref<10000x64xf32, #tpu.memory_space<vmem_shared>> -> memref<10000x64xf32, #tpu.memory_space<vmem_shared>>
        tpu.wait_indirect_dma semaphore(%run_scoped3A_105 : memref<!tpu.dma_semaphore, #tpu.memory_space<semaphore_mem>>) src(%arg9 : memref<128x64xf32, #tpu.memory_space<vmem>>) dst(%dma_wait3A_117 : memref<10000x64xf32, #tpu.memory_space<vmem_shared>>)
        tpu.yield
      }) : () -> ()
      %dma_wait3A_67 = arith.constant 0 : i32
      %dma_wait3A_68 = arith.constant 0 : i32
      %dma_wait3A_69 = tpu.memref_slice %arg7[%dma_wait3A_67, %dma_wait3A_68] : memref<79x128xi32, #tpu.memory_space<vmem>> -> memref<1x128xi32, #tpu.memory_space<vmem>>
      %dma_wait3A_70 = tpu.memref_squeeze %dma_wait3A_69 : memref<1x128xi32, #tpu.memory_space<vmem>> -> memref<128xi32, #tpu.memory_space<vmem>>
      %dma_wait3A_71 = arith.constant 0 : i32
      %dma_wait3A_72 = arith.constant 0 : i32
      %dma_wait3A_73 = tpu.memref_slice %arg13[%dma_wait3A_71, %dma_wait3A_72] : memref<10000x64xf32, #tpu.memory_space<vmem_shared>> -> memref<10000x64xf32, #tpu.memory_space<vmem_shared>>
      tpu.wait_indirect_dma semaphore(%arg15 : memref<!tpu.dma_semaphore, #tpu.memory_space<semaphore_mem>>) src(%dma_wait3A_73 : memref<10000x64xf32, #tpu.memory_space<vmem_shared>>) dst(%arg10 : memref<128x64xf32, #tpu.memory_space<vmem>>)
      %add3A_74 = arith.constant 3 : i32
      %add3A_75 = arith.addi %mul3A_51, %add3A_74 : i32
      %min3A = arith.constant 77 : i32
      %min3A_76 = arith.minsi %add3A_75, %min3A : i32
      %dma_start3A_77 = arith.constant 0 : i32
      %dma_start3A_78 = tpu.memref_slice %arg7[%min3A_76, %dma_start3A_77] : memref<79x128xi32, #tpu.memory_space<vmem>> -> memref<1x128xi32, #tpu.memory_space<vmem>>
      %dma_start3A_79 = tpu.memref_squeeze %dma_start3A_78 : memref<1x128xi32, #tpu.memory_space<vmem>> -> memref<128xi32, #tpu.memory_space<vmem>>
      %dma_start3A_80 = arith.constant 0 : i32
      %dma_start3A_81 = arith.constant 0 : i32
      %dma_start3A_82 = tpu.memref_slice %arg13[%dma_start3A_80, %dma_start3A_81] : memref<10000x64xf32, #tpu.memory_space<vmem_shared>> -> memref<10000x64xf32, #tpu.memory_space<vmem_shared>>
      tpu.enqueue_indirect_dma source(%dma_start3A_82 : memref<10000x64xf32, #tpu.memory_space<vmem_shared>>) target(%arg9 : memref<128x64xf32, #tpu.memory_space<vmem>>) offsets(%dma_start3A_79 : memref<128xi32, #tpu.memory_space<vmem>>) semaphore(%arg14 : memref<!tpu.dma_semaphore, #tpu.memory_space<semaphore_mem>>)
      %add3A_83 = arith.constant 1 : i32
      %add3A_84 = arith.addi %mul3A_51, %add3A_83 : i32
      "tpu.region"() ({
        %run_scoped3A_105 = tpu.sem_alloc : memref<!tpu.dma_semaphore, #tpu.memory_space<semaphore_mem>>
        %dma_start3A_106 = arith.constant 0 : i32
        %dma_start3A_107 = tpu.memref_slice %arg8[%add3A_84, %dma_start3A_106] : memref<79x128xi32, #tpu.memory_space<vmem>> -> memref<1x128xi32, #tpu.memory_space<vmem>>
        %dma_start3A_108 = tpu.memref_squeeze %dma_start3A_107 : memref<1x128xi32, #tpu.memory_space<vmem>> -> memref<128xi32, #tpu.memory_space<vmem>>
        %dma_start3A_109 = arith.constant 0 : i32
        %dma_start3A_110 = arith.constant 0 : i32
        %dma_start3A_111 = tpu.memref_slice %arg12[%dma_start3A_109, %dma_start3A_110] : memref<10000x64xf32, #tpu.memory_space<vmem_shared>> -> memref<10000x64xf32, #tpu.memory_space<vmem_shared>>
        tpu.enqueue_indirect_dma source(%arg10 : memref<128x64xf32, #tpu.memory_space<vmem>>) target(%dma_start3A_111 : memref<10000x64xf32, #tpu.memory_space<vmem_shared>>) offsets(%dma_start3A_108 : memref<128xi32, #tpu.memory_space<vmem>>) semaphore(%run_scoped3A_105 : memref<!tpu.dma_semaphore, #tpu.memory_space<semaphore_mem>>) {add = true}
        %dma_wait3A_112 = arith.constant 0 : i32
        %dma_wait3A_113 = tpu.memref_slice %arg8[%add3A_84, %dma_wait3A_112] : memref<79x128xi32, #tpu.memory_space<vmem>> -> memref<1x128xi32, #tpu.memory_space<vmem>>
        %dma_wait3A_114 = tpu.memref_squeeze %dma_wait3A_113 : memref<1x128xi32, #tpu.memory_space<vmem>> -> memref<128xi32, #tpu.memory_space<vmem>>
        %dma_wait3A_115 = arith.constant 0 : i32
        %dma_wait3A_116 = arith.constant 0 : i32
        %dma_wait3A_117 = tpu.memref_slice %arg12[%dma_wait3A_115, %dma_wait3A_116] : memref<10000x64xf32, #tpu.memory_space<vmem_shared>> -> memref<10000x64xf32, #tpu.memory_space<vmem_shared>>
        tpu.wait_indirect_dma semaphore(%run_scoped3A_105 : memref<!tpu.dma_semaphore, #tpu.memory_space<semaphore_mem>>) src(%arg10 : memref<128x64xf32, #tpu.memory_space<vmem>>) dst(%dma_wait3A_117 : memref<10000x64xf32, #tpu.memory_space<vmem_shared>>)
        tpu.yield
      }) : () -> ()
      %dma_wait3A_85 = arith.constant 0 : i32
      %dma_wait3A_86 = arith.constant 0 : i32
      %dma_wait3A_87 = tpu.memref_slice %arg7[%dma_wait3A_85, %dma_wait3A_86] : memref<79x128xi32, #tpu.memory_space<vmem>> -> memref<1x128xi32, #tpu.memory_space<vmem>>
      %dma_wait3A_88 = tpu.memref_squeeze %dma_wait3A_87 : memref<1x128xi32, #tpu.memory_space<vmem>> -> memref<128xi32, #tpu.memory_space<vmem>>
      %dma_wait3A_89 = arith.constant 0 : i32
      %dma_wait3A_90 = arith.constant 0 : i32
      %dma_wait3A_91 = tpu.memref_slice %arg13[%dma_wait3A_89, %dma_wait3A_90] : memref<10000x64xf32, #tpu.memory_space<vmem_shared>> -> memref<10000x64xf32, #tpu.memory_space<vmem_shared>>
      tpu.wait_indirect_dma semaphore(%arg16 : memref<!tpu.dma_semaphore, #tpu.memory_space<semaphore_mem>>) src(%dma_wait3A_91 : memref<10000x64xf32, #tpu.memory_space<vmem_shared>>) dst(%arg11 : memref<128x64xf32, #tpu.memory_space<vmem>>)
      %add3A_92 = arith.constant 4 : i32
      %add3A_93 = arith.addi %mul3A_51, %add3A_92 : i32
      %min3A_94 = arith.constant 77 : i32
      %min3A_95 = arith.minsi %add3A_93, %min3A_94 : i32
      %dma_start3A_96 = arith.constant 0 : i32
      %dma_start3A_97 = tpu.memref_slice %arg7[%min3A_95, %dma_start3A_96] : memref<79x128xi32, #tpu.memory_space<vmem>> -> memref<1x128xi32, #tpu.memory_space<vmem>>
      %dma_start3A_98 = tpu.memref_squeeze %dma_start3A_97 : memref<1x128xi32, #tpu.memory_space<vmem>> -> memref<128xi32, #tpu.memory_space<vmem>>
      %dma_start3A_99 = arith.constant 0 : i32
      %dma_start3A_100 = arith.constant 0 : i32
      %dma_start3A_101 = tpu.memref_slice %arg13[%dma_start3A_99, %dma_start3A_100] : memref<10000x64xf32, #tpu.memory_space<vmem_shared>> -> memref<10000x64xf32, #tpu.memory_space<vmem_shared>>
      tpu.enqueue_indirect_dma source(%dma_start3A_101 : memref<10000x64xf32, #tpu.memory_space<vmem_shared>>) target(%arg10 : memref<128x64xf32, #tpu.memory_space<vmem>>) offsets(%dma_start3A_98 : memref<128xi32, #tpu.memory_space<vmem>>) semaphore(%arg15 : memref<!tpu.dma_semaphore, #tpu.memory_space<semaphore_mem>>)
      %add3A_102 = arith.constant 2 : i32
      %add3A_103 = arith.addi %mul3A_51, %add3A_102 : i32
      "tpu.region"() ({
        %run_scoped3A_105 = tpu.sem_alloc : memref<!tpu.dma_semaphore, #tpu.memory_space<semaphore_mem>>
        %dma_start3A_106 = arith.constant 0 : i32
        %dma_start3A_107 = tpu.memref_slice %arg8[%add3A_103, %dma_start3A_106] : memref<79x128xi32, #tpu.memory_space<vmem>> -> memref<1x128xi32, #tpu.memory_space<vmem>>
        %dma_start3A_108 = tpu.memref_squeeze %dma_start3A_107 : memref<1x128xi32, #tpu.memory_space<vmem>> -> memref<128xi32, #tpu.memory_space<vmem>>
        %dma_start3A_109 = arith.constant 0 : i32
        %dma_start3A_110 = arith.constant 0 : i32
        %dma_start3A_111 = tpu.memref_slice %arg12[%dma_start3A_109, %dma_start3A_110] : memref<10000x64xf32, #tpu.memory_space<vmem_shared>> -> memref<10000x64xf32, #tpu.memory_space<vmem_shared>>
        tpu.enqueue_indirect_dma source(%arg11 : memref<128x64xf32, #tpu.memory_space<vmem>>) target(%dma_start3A_111 : memref<10000x64xf32, #tpu.memory_space<vmem_shared>>) offsets(%dma_start3A_108 : memref<128xi32, #tpu.memory_space<vmem>>) semaphore(%run_scoped3A_105 : memref<!tpu.dma_semaphore, #tpu.memory_space<semaphore_mem>>) {add = true}
        %dma_wait3A_112 = arith.constant 0 : i32
        %dma_wait3A_113 = tpu.memref_slice %arg8[%add3A_103, %dma_wait3A_112] : memref<79x128xi32, #tpu.memory_space<vmem>> -> memref<1x128xi32, #tpu.memory_space<vmem>>
        %dma_wait3A_114 = tpu.memref_squeeze %dma_wait3A_113 : memref<1x128xi32, #tpu.memory_space<vmem>> -> memref<128xi32, #tpu.memory_space<vmem>>
        %dma_wait3A_115 = arith.constant 0 : i32
        %dma_wait3A_116 = arith.constant 0 : i32
        %dma_wait3A_117 = tpu.memref_slice %arg12[%dma_wait3A_115, %dma_wait3A_116] : memref<10000x64xf32, #tpu.memory_space<vmem_shared>> -> memref<10000x64xf32, #tpu.memory_space<vmem_shared>>
        tpu.wait_indirect_dma semaphore(%run_scoped3A_105 : memref<!tpu.dma_semaphore, #tpu.memory_space<semaphore_mem>>) src(%arg11 : memref<128x64xf32, #tpu.memory_space<vmem>>) dst(%dma_wait3A_117 : memref<10000x64xf32, #tpu.memory_space<vmem_shared>>)
        tpu.yield
      }) : () -> ()
      %scan3A_104 = arith.constant 0 : i32
      scf.yield %scan3A_104 : i32
    }
    %scan3A_28 = arith.constant 26 : i32
    %dma_wait3A = arith.constant 0 : i32
    %dma_wait3A_29 = arith.constant 0 : i32
    %dma_wait3A_30 = tpu.memref_slice %arg7[%dma_wait3A, %dma_wait3A_29] : memref<79x128xi32, #tpu.memory_space<vmem>> -> memref<1x128xi32, #tpu.memory_space<vmem>>
    %dma_wait3A_31 = tpu.memref_squeeze %dma_wait3A_30 : memref<1x128xi32, #tpu.memory_space<vmem>> -> memref<128xi32, #tpu.memory_space<vmem>>
    %dma_wait3A_32 = arith.constant 0 : i32
    %dma_wait3A_33 = arith.constant 0 : i32
    %dma_wait3A_34 = tpu.memref_slice %arg13[%dma_wait3A_32, %dma_wait3A_33] : memref<10000x64xf32, #tpu.memory_space<vmem_shared>> -> memref<10000x64xf32, #tpu.memory_space<vmem_shared>>
    tpu.wait_indirect_dma semaphore(%arg14 : memref<!tpu.dma_semaphore, #tpu.memory_space<semaphore_mem>>) src(%dma_wait3A_34 : memref<10000x64xf32, #tpu.memory_space<vmem_shared>>) dst(%arg9 : memref<128x64xf32, #tpu.memory_space<vmem>>)
    %dma_wait3A_35 = arith.constant 0 : i32
    %dma_wait3A_36 = arith.constant 0 : i32
    %dma_wait3A_37 = tpu.memref_slice %arg7[%dma_wait3A_35, %dma_wait3A_36] : memref<79x128xi32, #tpu.memory_space<vmem>> -> memref<1x128xi32, #tpu.memory_space<vmem>>
    %dma_wait3A_38 = tpu.memref_squeeze %dma_wait3A_37 : memref<1x128xi32, #tpu.memory_space<vmem>> -> memref<128xi32, #tpu.memory_space<vmem>>
    %dma_wait3A_39 = arith.constant 0 : i32
    %dma_wait3A_40 = arith.constant 0 : i32
    %dma_wait3A_41 = tpu.memref_slice %arg13[%dma_wait3A_39, %dma_wait3A_40] : memref<10000x64xf32, #tpu.memory_space<vmem_shared>> -> memref<10000x64xf32, #tpu.memory_space<vmem_shared>>
    tpu.wait_indirect_dma semaphore(%arg15 : memref<!tpu.dma_semaphore, #tpu.memory_space<semaphore_mem>>) src(%dma_wait3A_41 : memref<10000x64xf32, #tpu.memory_space<vmem_shared>>) dst(%arg10 : memref<128x64xf32, #tpu.memory_space<vmem>>)
    %convert_element_type3A = arith.extui %ge3A_8 : i1 to i32
    %cond3A = arith.constant 0 : i32
    %cond3A_42 = arith.cmpi ne, %convert_element_type3A, %cond3A : i32
    scf.if %cond3A_42 {
      %dma_start3A_48 = arith.constant 78 : i32
      %dma_start3A_49 = arith.constant 0 : i32
      %dma_start3A_50 = tpu.memref_slice %arg7[%dma_start3A_48, %dma_start3A_49] : memref<79x128xi32, #tpu.memory_space<vmem>> -> memref<1x128xi32, #tpu.memory_space<vmem>>
      %dma_start3A_51 = tpu.memref_squeeze %dma_start3A_50 : memref<1x128xi32, #tpu.memory_space<vmem>> -> memref<128xi32, #tpu.memory_space<vmem>>
      %dma_start3A_52 = arith.constant 0 : i32
      %dma_start3A_53 = arith.constant 0 : i32
      %dma_start3A_54 = tpu.memref_slice %arg13[%dma_start3A_52, %dma_start3A_53] : memref<10000x64xf32, #tpu.memory_space<vmem_shared>> -> memref<10000x64xf32, #tpu.memory_space<vmem_shared>>
      tpu.enqueue_indirect_dma source(%dma_start3A_54 : memref<10000x64xf32, #tpu.memory_space<vmem_shared>>) target(%arg9 : memref<128x64xf32, #tpu.memory_space<vmem>>) offsets(%dma_start3A_51 : memref<128xi32, #tpu.memory_space<vmem>>) semaphore(%arg14 : memref<!tpu.dma_semaphore, #tpu.memory_space<semaphore_mem>>)
      %dma_wait3A_55 = arith.constant 78 : i32
      %dma_wait3A_56 = arith.constant 0 : i32
      %dma_wait3A_57 = tpu.memref_slice %arg7[%dma_wait3A_55, %dma_wait3A_56] : memref<79x128xi32, #tpu.memory_space<vmem>> -> memref<1x128xi32, #tpu.memory_space<vmem>>
      %dma_wait3A_58 = tpu.memref_squeeze %dma_wait3A_57 : memref<1x128xi32, #tpu.memory_space<vmem>> -> memref<128xi32, #tpu.memory_space<vmem>>
      %dma_wait3A_59 = arith.constant 0 : i32
      %dma_wait3A_60 = arith.constant 0 : i32
      %dma_wait3A_61 = tpu.memref_slice %arg13[%dma_wait3A_59, %dma_wait3A_60] : memref<10000x64xf32, #tpu.memory_space<vmem_shared>> -> memref<10000x64xf32, #tpu.memory_space<vmem_shared>>
      tpu.wait_indirect_dma semaphore(%arg14 : memref<!tpu.dma_semaphore, #tpu.memory_space<semaphore_mem>>) src(%dma_wait3A_61 : memref<10000x64xf32, #tpu.memory_space<vmem_shared>>) dst(%arg9 : memref<128x64xf32, #tpu.memory_space<vmem>>)
      %run_scoped3A_62 = arith.constant 78 : i32
      "tpu.region"() ({
        %run_scoped3A_63 = tpu.sem_alloc : memref<!tpu.dma_semaphore, #tpu.memory_space<semaphore_mem>>
        %dma_start3A_64 = arith.constant 0 : i32
        %dma_start3A_65 = tpu.memref_slice %arg8[%run_scoped3A_62, %dma_start3A_64] : memref<79x128xi32, #tpu.memory_space<vmem>> -> memref<1x128xi32, #tpu.memory_space<vmem>>
        %dma_start3A_66 = tpu.memref_squeeze %dma_start3A_65 : memref<1x128xi32, #tpu.memory_space<vmem>> -> memref<128xi32, #tpu.memory_space<vmem>>
        %dma_start3A_67 = arith.constant 0 : i32
        %dma_start3A_68 = arith.constant 0 : i32
        %dma_start3A_69 = tpu.memref_slice %arg12[%dma_start3A_67, %dma_start3A_68] : memref<10000x64xf32, #tpu.memory_space<vmem_shared>> -> memref<10000x64xf32, #tpu.memory_space<vmem_shared>>
        tpu.enqueue_indirect_dma source(%arg9 : memref<128x64xf32, #tpu.memory_space<vmem>>) target(%dma_start3A_69 : memref<10000x64xf32, #tpu.memory_space<vmem_shared>>) offsets(%dma_start3A_66 : memref<128xi32, #tpu.memory_space<vmem>>) semaphore(%run_scoped3A_63 : memref<!tpu.dma_semaphore, #tpu.memory_space<semaphore_mem>>) {add = true}
        %dma_wait3A_70 = arith.constant 0 : i32
        %dma_wait3A_71 = tpu.memref_slice %arg8[%run_scoped3A_62, %dma_wait3A_70] : memref<79x128xi32, #tpu.memory_space<vmem>> -> memref<1x128xi32, #tpu.memory_space<vmem>>
        %dma_wait3A_72 = tpu.memref_squeeze %dma_wait3A_71 : memref<1x128xi32, #tpu.memory_space<vmem>> -> memref<128xi32, #tpu.memory_space<vmem>>
        %dma_wait3A_73 = arith.constant 0 : i32
        %dma_wait3A_74 = arith.constant 0 : i32
        %dma_wait3A_75 = tpu.memref_slice %arg12[%dma_wait3A_73, %dma_wait3A_74] : memref<10000x64xf32, #tpu.memory_space<vmem_shared>> -> memref<10000x64xf32, #tpu.memory_space<vmem_shared>>
        tpu.wait_indirect_dma semaphore(%run_scoped3A_63 : memref<!tpu.dma_semaphore, #tpu.memory_space<semaphore_mem>>) src(%arg9 : memref<128x64xf32, #tpu.memory_space<vmem>>) dst(%dma_wait3A_75 : memref<10000x64xf32, #tpu.memory_space<vmem_shared>>)
        tpu.yield
      }) : () -> ()
    } else {
    }
    %barrier3A_43 = arith.constant 0 : index
    tpu.barrier barrier_id(%barrier3A_43)
    "tpu.region"() ({
      %run_scoped3A_48 = tpu.sem_alloc : memref<!tpu.dma_semaphore, #tpu.memory_space<semaphore_mem>>
      %dma_start3A_49 = arith.constant 0 : i32
      %dma_start3A_50 = tpu.memref_slice %arg5[%arg0, %mul3A_2, %dma_start3A_49] : memref<2x10000x64xf32, #tpu.memory_space<hbm>> -> memref<1x625x64xf32, #tpu.memory_space<hbm>>
      %dma_start3A_51 = tpu.memref_squeeze %dma_start3A_50 : memref<1x625x64xf32, #tpu.memory_space<hbm>> -> memref<625x64xf32, #tpu.memory_space<hbm>>
      %dma_start3A_52 = arith.constant 0 : i32
      %dma_start3A_53 = tpu.memref_slice %arg12[%mul3A_2, %dma_start3A_52] : memref<10000x64xf32, #tpu.memory_space<vmem_shared>> -> memref<625x64xf32, #tpu.memory_space<vmem_shared>>
      tpu.enqueue_dma source(%dma_start3A_53 : memref<625x64xf32, #tpu.memory_space<vmem_shared>>) target(%dma_start3A_51 : memref<625x64xf32, #tpu.memory_space<hbm>>) target_semaphore(%run_scoped3A_48 : memref<!tpu.dma_semaphore, #tpu.memory_space<semaphore_mem>>)
      %dma_wait3A_54 = arith.constant 0 : i32
      %dma_wait3A_55 = tpu.memref_slice %arg5[%arg0, %mul3A_2, %dma_wait3A_54] : memref<2x10000x64xf32, #tpu.memory_space<hbm>> -> memref<1x625x64xf32, #tpu.memory_space<hbm>>
      %dma_wait3A_56 = tpu.memref_squeeze %dma_wait3A_55 : memref<1x625x64xf32, #tpu.memory_space<hbm>> -> memref<625x64xf32, #tpu.memory_space<hbm>>
      %dma_wait3A_57 = arith.constant 0 : i32
      %dma_wait3A_58 = tpu.memref_slice %arg12[%mul3A_2, %dma_wait3A_57] : memref<10000x64xf32, #tpu.memory_space<vmem_shared>> -> memref<625x64xf32, #tpu.memory_space<vmem_shared>>
      tpu.wait_dma2 semaphore(%run_scoped3A_48 : memref<!tpu.dma_semaphore, #tpu.memory_space<semaphore_mem>>) src(%dma_wait3A_58 : memref<625x64xf32, #tpu.memory_space<vmem_shared>>) dst(%dma_wait3A_56 : memref<625x64xf32, #tpu.memory_space<hbm>>)
      tpu.yield
    }) : () -> ()
    %eq3A = arith.constant 0 : i32
    %eq3A_44 = arith.cmpi eq, %arg0, %eq3A : i32
    %convert_element_type3A_45 = arith.extui %eq3A_44 : i1 to i32
    %cond3A_46 = arith.constant 0 : i32
    %cond3A_47 = arith.cmpi ne, %convert_element_type3A_45, %cond3A_46 : i32
    scf.if %cond3A_47 {
      "tpu.region"() ({
        %run_scoped3A_48 = tpu.sem_alloc : memref<!tpu.dma_semaphore, #tpu.memory_space<semaphore_mem>>
        %dma_start3A_49 = arith.constant 0 : i32
        %dma_start3A_50 = tpu.memref_slice %arg6[%mul3A_2, %dma_start3A_49] : memref<10000x64xf32, #tpu.memory_space<hbm>> -> memref<625x64xf32, #tpu.memory_space<hbm>>
        %dma_start3A_51 = arith.constant 0 : i32
        %dma_start3A_52 = tpu.memref_slice %arg13[%mul3A_2, %dma_start3A_51] : memref<10000x64xf32, #tpu.memory_space<vmem_shared>> -> memref<625x64xf32, #tpu.memory_space<vmem_shared>>
        tpu.enqueue_dma source(%dma_start3A_52 : memref<625x64xf32, #tpu.memory_space<vmem_shared>>) target(%dma_start3A_50 : memref<625x64xf32, #tpu.memory_space<hbm>>) target_semaphore(%run_scoped3A_48 : memref<!tpu.dma_semaphore, #tpu.memory_space<semaphore_mem>>)
        %dma_wait3A_53 = arith.constant 0 : i32
        %dma_wait3A_54 = tpu.memref_slice %arg6[%mul3A_2, %dma_wait3A_53] : memref<10000x64xf32, #tpu.memory_space<hbm>> -> memref<625x64xf32, #tpu.memory_space<hbm>>
        %dma_wait3A_55 = arith.constant 0 : i32
        %dma_wait3A_56 = tpu.memref_slice %arg13[%mul3A_2, %dma_wait3A_55] : memref<10000x64xf32, #tpu.memory_space<vmem_shared>> -> memref<625x64xf32, #tpu.memory_space<vmem_shared>>
        tpu.wait_dma2 semaphore(%run_scoped3A_48 : memref<!tpu.dma_semaphore, #tpu.memory_space<semaphore_mem>>) src(%dma_wait3A_56 : memref<625x64xf32, #tpu.memory_space<vmem_shared>>) dst(%dma_wait3A_54 : memref<625x64xf32, #tpu.memory_space<hbm>>)
        tpu.yield
      }) : () -> ()
    } else {
    }
    return
  }
}

#map = affine_map<(d0, d1) -> (0, 0, 0)>
#map1 = affine_map<(d0, d1) -> (0, 0)>
module attributes {stable_mosaic.version = 14 : i64} {
  func.func @_deg_body(%arg0: i32, %arg1: i32, %arg2: memref<2x2500x128xi32, #tpu.memory_space<hbm>>, %arg3: memref<640x8xf32, #tpu.memory_space<hbm>>, %arg4: memref<128x8xf32, #tpu.memory_space<hbm>>, %arg5: memref<2x10240x8xf32, #tpu.memory_space<hbm>>, %arg6: memref<79x128xi32, #tpu.memory_space<vmem>>, %arg7: memref<128x8xf32, #tpu.memory_space<vmem>>, %arg8: memref<10240x8xf32, #tpu.memory_space<vmem_shared>>, %arg9: memref<!tpu.dma_semaphore, #tpu.memory_space<semaphore_mem>>) attributes {dimension_semantics = [#tpu.dimension_semantics<core_parallel>, #tpu.dimension_semantics<subcore_parallel>], iteration_bounds = array<i64: 2, 16>, scalar_prefetch = 0 : i64, scratch_operands = 4 : i64, tpu.core_type = #tpu.core_type<sc_vector_subcore>, window_params = [{transform_indices = #map}, {transform_indices = #map1}, {transform_indices = #map1}, {transform_indices = #map}]} {
    %mul3A = arith.constant 2 : i32
    %mul3A_0 = arith.muli %arg1, %mul3A : i32
    %add3A = arith.addi %mul3A_0, %arg0 : i32
    %mul3A_1 = arith.constant 640 : i32
    %mul3A_2 = arith.muli %arg1, %mul3A_1 : i32
    %mul3A_3 = arith.constant 78 : i32
    %mul3A_4 = arith.muli %mul3A_3, %add3A : i32
    %sub3A = arith.constant 28 : i32
    %sub3A_5 = arith.subi %add3A, %sub3A : i32
    %max3A = arith.constant 0 : i32
    %max3A_6 = arith.maxsi %sub3A_5, %max3A : i32
    %add3A_7 = arith.addi %mul3A_4, %max3A_6 : i32
    %ge3A = arith.constant 28 : i32
    %ge3A_8 = arith.cmpi sge, %add3A, %ge3A : i32
    "tpu.region"() ({
      %run_scoped3A_29 = tpu.sem_alloc : memref<!tpu.dma_semaphore, #tpu.memory_space<semaphore_mem>>
      %dma_start3A_30 = arith.constant 0 : i32
      %dma_start3A_31 = tpu.memref_slice %arg8[%mul3A_2, %dma_start3A_30] : memref<10240x8xf32, #tpu.memory_space<vmem_shared>> -> memref<640x8xf32, #tpu.memory_space<vmem_shared>>
      tpu.enqueue_dma source(%arg3 : memref<640x8xf32, #tpu.memory_space<hbm>>) target(%dma_start3A_31 : memref<640x8xf32, #tpu.memory_space<vmem_shared>>) target_semaphore(%run_scoped3A_29 : memref<!tpu.dma_semaphore, #tpu.memory_space<semaphore_mem>>)
      %dma_wait3A_32 = arith.constant 0 : i32
      %dma_wait3A_33 = tpu.memref_slice %arg8[%mul3A_2, %dma_wait3A_32] : memref<10240x8xf32, #tpu.memory_space<vmem_shared>> -> memref<640x8xf32, #tpu.memory_space<vmem_shared>>
      tpu.wait_dma2 semaphore(%run_scoped3A_29 : memref<!tpu.dma_semaphore, #tpu.memory_space<semaphore_mem>>) src(%arg3 : memref<640x8xf32, #tpu.memory_space<hbm>>) dst(%dma_wait3A_33 : memref<640x8xf32, #tpu.memory_space<vmem_shared>>)
      tpu.yield
    }) : () -> ()
    "tpu.region"() ({
      %run_scoped3A_29 = tpu.sem_alloc : memref<!tpu.dma_semaphore, #tpu.memory_space<semaphore_mem>>
      tpu.enqueue_dma source(%arg4 : memref<128x8xf32, #tpu.memory_space<hbm>>) target(%arg7 : memref<128x8xf32, #tpu.memory_space<vmem>>) target_semaphore(%run_scoped3A_29 : memref<!tpu.dma_semaphore, #tpu.memory_space<semaphore_mem>>)
      tpu.wait_dma2 semaphore(%run_scoped3A_29 : memref<!tpu.dma_semaphore, #tpu.memory_space<semaphore_mem>>) src(%arg4 : memref<128x8xf32, #tpu.memory_space<hbm>>) dst(%arg7 : memref<128x8xf32, #tpu.memory_space<vmem>>)
      tpu.yield
    }) : () -> ()
    %run_scoped3A = arith.constant 1 : i32
    "tpu.region"() ({
      %run_scoped3A_29 = tpu.sem_alloc : memref<!tpu.dma_semaphore, #tpu.memory_space<semaphore_mem>>
      %dma_start3A_30 = arith.constant 0 : i32
      %dma_start3A_31 = tpu.memref_slice %arg2[%run_scoped3A, %add3A_7, %dma_start3A_30] : memref<2x2500x128xi32, #tpu.memory_space<hbm>> -> memref<1x79x128xi32, #tpu.memory_space<hbm>>
      %dma_start3A_32 = tpu.memref_squeeze %dma_start3A_31 : memref<1x79x128xi32, #tpu.memory_space<hbm>> -> memref<79x128xi32, #tpu.memory_space<hbm>>
      %dma_start3A_33 = arith.constant 0 : i32
      %dma_start3A_34 = tpu.memref_slice %arg2[%run_scoped3A, %add3A_7, %dma_start3A_33] : memref<2x2500x128xi32, #tpu.memory_space<hbm>> -> memref<1x79x128xi32, #tpu.memory_space<hbm>>
      %dma_start3A_35 = tpu.memref_squeeze %dma_start3A_34 : memref<1x79x128xi32, #tpu.memory_space<hbm>> -> memref<79x128xi32, #tpu.memory_space<hbm>>
      tpu.enqueue_dma source(%dma_start3A_35 : memref<79x128xi32, #tpu.memory_space<hbm>>) target(%arg6 : memref<79x128xi32, #tpu.memory_space<vmem>>) target_semaphore(%run_scoped3A_29 : memref<!tpu.dma_semaphore, #tpu.memory_space<semaphore_mem>>)
      %dma_wait3A_36 = arith.constant 0 : i32
      %dma_wait3A_37 = tpu.memref_slice %arg2[%run_scoped3A, %add3A_7, %dma_wait3A_36] : memref<2x2500x128xi32, #tpu.memory_space<hbm>> -> memref<1x79x128xi32, #tpu.memory_space<hbm>>
      %dma_wait3A_38 = tpu.memref_squeeze %dma_wait3A_37 : memref<1x79x128xi32, #tpu.memory_space<hbm>> -> memref<79x128xi32, #tpu.memory_space<hbm>>
      %dma_wait3A_39 = arith.constant 0 : i32
      %dma_wait3A_40 = tpu.memref_slice %arg2[%run_scoped3A, %add3A_7, %dma_wait3A_39] : memref<2x2500x128xi32, #tpu.memory_space<hbm>> -> memref<1x79x128xi32, #tpu.memory_space<hbm>>
      %dma_wait3A_41 = tpu.memref_squeeze %dma_wait3A_40 : memref<1x79x128xi32, #tpu.memory_space<hbm>> -> memref<79x128xi32, #tpu.memory_space<hbm>>
      tpu.wait_dma2 semaphore(%run_scoped3A_29 : memref<!tpu.dma_semaphore, #tpu.memory_space<semaphore_mem>>) src(%dma_wait3A_41 : memref<79x128xi32, #tpu.memory_space<hbm>>) dst(%arg6 : memref<79x128xi32, #tpu.memory_space<vmem>>)
      tpu.yield
    }) : () -> ()
    %barrier3A = arith.constant 0 : index
    tpu.barrier barrier_id(%barrier3A)
    %dma_start3A = arith.constant 0 : i32
    %dma_start3A_9 = arith.constant 0 : i32
    %dma_start3A_10 = tpu.memref_slice %arg6[%dma_start3A, %dma_start3A_9] : memref<79x128xi32, #tpu.memory_space<vmem>> -> memref<1x128xi32, #tpu.memory_space<vmem>>
    %dma_start3A_11 = tpu.memref_squeeze %dma_start3A_10 : memref<1x128xi32, #tpu.memory_space<vmem>> -> memref<128xi32, #tpu.memory_space<vmem>>
    %dma_start3A_12 = arith.constant 0 : i32
    %dma_start3A_13 = arith.constant 0 : i32
    %dma_start3A_14 = tpu.memref_slice %arg8[%dma_start3A_12, %dma_start3A_13] : memref<10240x8xf32, #tpu.memory_space<vmem_shared>> -> memref<10240x8xf32, #tpu.memory_space<vmem_shared>>
    tpu.enqueue_indirect_dma source(%arg7 : memref<128x8xf32, #tpu.memory_space<vmem>>) target(%dma_start3A_14 : memref<10240x8xf32, #tpu.memory_space<vmem_shared>>) offsets(%dma_start3A_11 : memref<128xi32, #tpu.memory_space<vmem>>) semaphore(%arg9 : memref<!tpu.dma_semaphore, #tpu.memory_space<semaphore_mem>>) {add = true}
    %scan3A = arith.constant 0 : i32
    %scan3A_15 = arith.constant 0 : i32
    %scan3A_16 = arith.constant 77 : i32
    %scan3A_17 = arith.addi %scan3A_15, %scan3A_16 : i32
    %scan3A_18 = arith.constant 1 : i32
    %scan3A_19 = scf.for %scan3A_29 = %scan3A_15 to %scan3A_17 step %scan3A_18 iter_args(%scan3A_30 = %scan3A) -> (i32)  : i32 {
      %add3A_31 = arith.constant 1 : i32
      %add3A_32 = arith.addi %scan3A_29, %add3A_31 : i32
      %dma_start3A_33 = arith.constant 0 : i32
      %dma_start3A_34 = tpu.memref_slice %arg6[%add3A_32, %dma_start3A_33] : memref<79x128xi32, #tpu.memory_space<vmem>> -> memref<1x128xi32, #tpu.memory_space<vmem>>
      %dma_start3A_35 = tpu.memref_squeeze %dma_start3A_34 : memref<1x128xi32, #tpu.memory_space<vmem>> -> memref<128xi32, #tpu.memory_space<vmem>>
      %dma_start3A_36 = arith.constant 0 : i32
      %dma_start3A_37 = arith.constant 0 : i32
      %dma_start3A_38 = tpu.memref_slice %arg8[%dma_start3A_36, %dma_start3A_37] : memref<10240x8xf32, #tpu.memory_space<vmem_shared>> -> memref<10240x8xf32, #tpu.memory_space<vmem_shared>>
      tpu.enqueue_indirect_dma source(%arg7 : memref<128x8xf32, #tpu.memory_space<vmem>>) target(%dma_start3A_38 : memref<10240x8xf32, #tpu.memory_space<vmem_shared>>) offsets(%dma_start3A_35 : memref<128xi32, #tpu.memory_space<vmem>>) semaphore(%arg9 : memref<!tpu.dma_semaphore, #tpu.memory_space<semaphore_mem>>) {add = true}
      %dma_wait3A_39 = arith.constant 0 : i32
      %dma_wait3A_40 = arith.constant 0 : i32
      %dma_wait3A_41 = tpu.memref_slice %arg6[%dma_wait3A_39, %dma_wait3A_40] : memref<79x128xi32, #tpu.memory_space<vmem>> -> memref<1x128xi32, #tpu.memory_space<vmem>>
      %dma_wait3A_42 = tpu.memref_squeeze %dma_wait3A_41 : memref<1x128xi32, #tpu.memory_space<vmem>> -> memref<128xi32, #tpu.memory_space<vmem>>
      %dma_wait3A_43 = arith.constant 0 : i32
      %dma_wait3A_44 = arith.constant 0 : i32
      %dma_wait3A_45 = tpu.memref_slice %arg8[%dma_wait3A_43, %dma_wait3A_44] : memref<10240x8xf32, #tpu.memory_space<vmem_shared>> -> memref<10240x8xf32, #tpu.memory_space<vmem_shared>>
      tpu.wait_indirect_dma semaphore(%arg9 : memref<!tpu.dma_semaphore, #tpu.memory_space<semaphore_mem>>) src(%arg7 : memref<128x8xf32, #tpu.memory_space<vmem>>) dst(%dma_wait3A_45 : memref<10240x8xf32, #tpu.memory_space<vmem_shared>>)
      %scan3A_46 = arith.constant 0 : i32
      scf.yield %scan3A_46 : i32
    }
    %scan3A_20 = arith.constant 77 : i32
    %dma_wait3A = arith.constant 0 : i32
    %dma_wait3A_21 = arith.constant 0 : i32
    %dma_wait3A_22 = tpu.memref_slice %arg6[%dma_wait3A, %dma_wait3A_21] : memref<79x128xi32, #tpu.memory_space<vmem>> -> memref<1x128xi32, #tpu.memory_space<vmem>>
    %dma_wait3A_23 = tpu.memref_squeeze %dma_wait3A_22 : memref<1x128xi32, #tpu.memory_space<vmem>> -> memref<128xi32, #tpu.memory_space<vmem>>
    %dma_wait3A_24 = arith.constant 0 : i32
    %dma_wait3A_25 = arith.constant 0 : i32
    %dma_wait3A_26 = tpu.memref_slice %arg8[%dma_wait3A_24, %dma_wait3A_25] : memref<10240x8xf32, #tpu.memory_space<vmem_shared>> -> memref<10240x8xf32, #tpu.memory_space<vmem_shared>>
    tpu.wait_indirect_dma semaphore(%arg9 : memref<!tpu.dma_semaphore, #tpu.memory_space<semaphore_mem>>) src(%arg7 : memref<128x8xf32, #tpu.memory_space<vmem>>) dst(%dma_wait3A_26 : memref<10240x8xf32, #tpu.memory_space<vmem_shared>>)
    %convert_element_type3A = arith.extui %ge3A_8 : i1 to i32
    %cond3A = arith.constant 0 : i32
    %cond3A_27 = arith.cmpi ne, %convert_element_type3A, %cond3A : i32
    scf.if %cond3A_27 {
      %dma_start3A_29 = arith.constant 78 : i32
      %dma_start3A_30 = arith.constant 0 : i32
      %dma_start3A_31 = tpu.memref_slice %arg6[%dma_start3A_29, %dma_start3A_30] : memref<79x128xi32, #tpu.memory_space<vmem>> -> memref<1x128xi32, #tpu.memory_space<vmem>>
      %dma_start3A_32 = tpu.memref_squeeze %dma_start3A_31 : memref<1x128xi32, #tpu.memory_space<vmem>> -> memref<128xi32, #tpu.memory_space<vmem>>
      %dma_start3A_33 = arith.constant 0 : i32
      %dma_start3A_34 = arith.constant 0 : i32
      %dma_start3A_35 = tpu.memref_slice %arg8[%dma_start3A_33, %dma_start3A_34] : memref<10240x8xf32, #tpu.memory_space<vmem_shared>> -> memref<10240x8xf32, #tpu.memory_space<vmem_shared>>
      tpu.enqueue_indirect_dma source(%arg7 : memref<128x8xf32, #tpu.memory_space<vmem>>) target(%dma_start3A_35 : memref<10240x8xf32, #tpu.memory_space<vmem_shared>>) offsets(%dma_start3A_32 : memref<128xi32, #tpu.memory_space<vmem>>) semaphore(%arg9 : memref<!tpu.dma_semaphore, #tpu.memory_space<semaphore_mem>>) {add = true}
      %dma_wait3A_36 = arith.constant 78 : i32
      %dma_wait3A_37 = arith.constant 0 : i32
      %dma_wait3A_38 = tpu.memref_slice %arg6[%dma_wait3A_36, %dma_wait3A_37] : memref<79x128xi32, #tpu.memory_space<vmem>> -> memref<1x128xi32, #tpu.memory_space<vmem>>
      %dma_wait3A_39 = tpu.memref_squeeze %dma_wait3A_38 : memref<1x128xi32, #tpu.memory_space<vmem>> -> memref<128xi32, #tpu.memory_space<vmem>>
      %dma_wait3A_40 = arith.constant 0 : i32
      %dma_wait3A_41 = arith.constant 0 : i32
      %dma_wait3A_42 = tpu.memref_slice %arg8[%dma_wait3A_40, %dma_wait3A_41] : memref<10240x8xf32, #tpu.memory_space<vmem_shared>> -> memref<10240x8xf32, #tpu.memory_space<vmem_shared>>
      tpu.wait_indirect_dma semaphore(%arg9 : memref<!tpu.dma_semaphore, #tpu.memory_space<semaphore_mem>>) src(%arg7 : memref<128x8xf32, #tpu.memory_space<vmem>>) dst(%dma_wait3A_42 : memref<10240x8xf32, #tpu.memory_space<vmem_shared>>)
    } else {
    }
    %barrier3A_28 = arith.constant 0 : index
    tpu.barrier barrier_id(%barrier3A_28)
    "tpu.region"() ({
      %run_scoped3A_29 = tpu.sem_alloc : memref<!tpu.dma_semaphore, #tpu.memory_space<semaphore_mem>>
      %dma_start3A_30 = arith.constant 0 : i32
      %dma_start3A_31 = tpu.memref_slice %arg5[%arg0, %mul3A_2, %dma_start3A_30] : memref<2x10240x8xf32, #tpu.memory_space<hbm>> -> memref<1x640x8xf32, #tpu.memory_space<hbm>>
      %dma_start3A_32 = tpu.memref_squeeze %dma_start3A_31 : memref<1x640x8xf32, #tpu.memory_space<hbm>> -> memref<640x8xf32, #tpu.memory_space<hbm>>
      %dma_start3A_33 = arith.constant 0 : i32
      %dma_start3A_34 = tpu.memref_slice %arg8[%mul3A_2, %dma_start3A_33] : memref<10240x8xf32, #tpu.memory_space<vmem_shared>> -> memref<640x8xf32, #tpu.memory_space<vmem_shared>>
      tpu.enqueue_dma source(%dma_start3A_34 : memref<640x8xf32, #tpu.memory_space<vmem_shared>>) target(%dma_start3A_32 : memref<640x8xf32, #tpu.memory_space<hbm>>) target_semaphore(%run_scoped3A_29 : memref<!tpu.dma_semaphore, #tpu.memory_space<semaphore_mem>>)
      %dma_wait3A_35 = arith.constant 0 : i32
      %dma_wait3A_36 = tpu.memref_slice %arg5[%arg0, %mul3A_2, %dma_wait3A_35] : memref<2x10240x8xf32, #tpu.memory_space<hbm>> -> memref<1x640x8xf32, #tpu.memory_space<hbm>>
      %dma_wait3A_37 = tpu.memref_squeeze %dma_wait3A_36 : memref<1x640x8xf32, #tpu.memory_space<hbm>> -> memref<640x8xf32, #tpu.memory_space<hbm>>
      %dma_wait3A_38 = arith.constant 0 : i32
      %dma_wait3A_39 = tpu.memref_slice %arg8[%mul3A_2, %dma_wait3A_38] : memref<10240x8xf32, #tpu.memory_space<vmem_shared>> -> memref<640x8xf32, #tpu.memory_space<vmem_shared>>
      tpu.wait_dma2 semaphore(%run_scoped3A_29 : memref<!tpu.dma_semaphore, #tpu.memory_space<semaphore_mem>>) src(%dma_wait3A_39 : memref<640x8xf32, #tpu.memory_space<vmem_shared>>) dst(%dma_wait3A_37 : memref<640x8xf32, #tpu.memory_space<hbm>>)
      tpu.yield
    }) : () -> ()
    return
  }
}

#map = affine_map<(d0, d1) -> (0, 0)>
#map1 = affine_map<(d0, d1) -> (0, 0, 0)>
module attributes {stable_mosaic.version = 14 : i64} {
  func.func @body(%arg0: i32, %arg1: i32, %arg2: memref<10000x64xf32, #tpu.memory_space<hbm>>, %arg3: memref<2x2500x128xi32, #tpu.memory_space<hbm>>, %arg4: memref<625x64xf32, #tpu.memory_space<hbm>>, %arg5: memref<2x10000x64xf32, #tpu.memory_space<hbm>>, %arg6: memref<79x128xi32, #tpu.memory_space<vmem>>, %arg7: memref<79x128xi32, #tpu.memory_space<vmem>>, %arg8: memref<128x64xf32, #tpu.memory_space<vmem>>, %arg9: memref<128x64xf32, #tpu.memory_space<vmem>>, %arg10: memref<128x64xf32, #tpu.memory_space<vmem>>, %arg11: memref<10000x64xf32, #tpu.memory_space<vmem_shared>>, %arg12: memref<10000x64xf32, #tpu.memory_space<vmem_shared>>, %arg13: memref<!tpu.dma_semaphore, #tpu.memory_space<semaphore_mem>>, %arg14: memref<!tpu.dma_semaphore, #tpu.memory_space<semaphore_mem>>, %arg15: memref<!tpu.dma_semaphore, #tpu.memory_space<semaphore_mem>>) attributes {dimension_semantics = [#tpu.dimension_semantics<core_parallel>, #tpu.dimension_semantics<subcore_parallel>], iteration_bounds = array<i64: 2, 16>, scalar_prefetch = 0 : i64, scratch_operands = 10 : i64, tpu.core_type = #tpu.core_type<sc_vector_subcore>, window_params = [{transform_indices = #map}, {transform_indices = #map1}, {transform_indices = #map}, {transform_indices = #map1}]} {
    %mul3A = arith.constant 2 : i32
    %mul3A_0 = arith.muli %arg1, %mul3A : i32
    %add3A = arith.addi %mul3A_0, %arg0 : i32
    %mul3A_1 = arith.constant 625 : i32
    %mul3A_2 = arith.muli %arg1, %mul3A_1 : i32
    %mul3A_3 = arith.constant 78 : i32
    %mul3A_4 = arith.muli %mul3A_3, %add3A : i32
    %sub3A = arith.constant 28 : i32
    %sub3A_5 = arith.subi %add3A, %sub3A : i32
    %max3A = arith.constant 0 : i32
    %max3A_6 = arith.maxsi %sub3A_5, %max3A : i32
    %add3A_7 = arith.addi %mul3A_4, %max3A_6 : i32
    %ge3A = arith.constant 28 : i32
    %ge3A_8 = arith.cmpi sge, %add3A, %ge3A : i32
    "tpu.region"() ({
      %run_scoped3A_44 = tpu.sem_alloc : memref<!tpu.dma_semaphore, #tpu.memory_space<semaphore_mem>>
      %dma_start3A_45 = arith.constant 0 : i32
      %dma_start3A_46 = tpu.memref_slice %arg11[%mul3A_2, %dma_start3A_45] : memref<10000x64xf32, #tpu.memory_space<vmem_shared>> -> memref<625x64xf32, #tpu.memory_space<vmem_shared>>
      tpu.enqueue_dma source(%arg4 : memref<625x64xf32, #tpu.memory_space<hbm>>) target(%dma_start3A_46 : memref<625x64xf32, #tpu.memory_space<vmem_shared>>) target_semaphore(%run_scoped3A_44 : memref<!tpu.dma_semaphore, #tpu.memory_space<semaphore_mem>>)
      %dma_wait3A_47 = arith.constant 0 : i32
      %dma_wait3A_48 = tpu.memref_slice %arg11[%mul3A_2, %dma_wait3A_47] : memref<10000x64xf32, #tpu.memory_space<vmem_shared>> -> memref<625x64xf32, #tpu.memory_space<vmem_shared>>
      tpu.wait_dma2 semaphore(%run_scoped3A_44 : memref<!tpu.dma_semaphore, #tpu.memory_space<semaphore_mem>>) src(%arg4 : memref<625x64xf32, #tpu.memory_space<hbm>>) dst(%dma_wait3A_48 : memref<625x64xf32, #tpu.memory_space<vmem_shared>>)
      tpu.yield
    }) : () -> ()
    %run_scoped3A = arith.constant 0 : i32
    "tpu.region"() ({
      %run_scoped3A_44 = tpu.sem_alloc : memref<!tpu.dma_semaphore, #tpu.memory_space<semaphore_mem>>
      %dma_start3A_45 = arith.constant 0 : i32
      %dma_start3A_46 = tpu.memref_slice %arg3[%run_scoped3A, %add3A_7, %dma_start3A_45] : memref<2x2500x128xi32, #tpu.memory_space<hbm>> -> memref<1x79x128xi32, #tpu.memory_space<hbm>>
      %dma_start3A_47 = tpu.memref_squeeze %dma_start3A_46 : memref<1x79x128xi32, #tpu.memory_space<hbm>> -> memref<79x128xi32, #tpu.memory_space<hbm>>
      %dma_start3A_48 = arith.constant 0 : i32
      %dma_start3A_49 = tpu.memref_slice %arg3[%run_scoped3A, %add3A_7, %dma_start3A_48] : memref<2x2500x128xi32, #tpu.memory_space<hbm>> -> memref<1x79x128xi32, #tpu.memory_space<hbm>>
      %dma_start3A_50 = tpu.memref_squeeze %dma_start3A_49 : memref<1x79x128xi32, #tpu.memory_space<hbm>> -> memref<79x128xi32, #tpu.memory_space<hbm>>
      tpu.enqueue_dma source(%dma_start3A_50 : memref<79x128xi32, #tpu.memory_space<hbm>>) target(%arg6 : memref<79x128xi32, #tpu.memory_space<vmem>>) target_semaphore(%run_scoped3A_44 : memref<!tpu.dma_semaphore, #tpu.memory_space<semaphore_mem>>)
      %dma_wait3A_51 = arith.constant 0 : i32
      %dma_wait3A_52 = tpu.memref_slice %arg3[%run_scoped3A, %add3A_7, %dma_wait3A_51] : memref<2x2500x128xi32, #tpu.memory_space<hbm>> -> memref<1x79x128xi32, #tpu.memory_space<hbm>>
      %dma_wait3A_53 = tpu.memref_squeeze %dma_wait3A_52 : memref<1x79x128xi32, #tpu.memory_space<hbm>> -> memref<79x128xi32, #tpu.memory_space<hbm>>
      %dma_wait3A_54 = arith.constant 0 : i32
      %dma_wait3A_55 = tpu.memref_slice %arg3[%run_scoped3A, %add3A_7, %dma_wait3A_54] : memref<2x2500x128xi32, #tpu.memory_space<hbm>> -> memref<1x79x128xi32, #tpu.memory_space<hbm>>
      %dma_wait3A_56 = tpu.memref_squeeze %dma_wait3A_55 : memref<1x79x128xi32, #tpu.memory_space<hbm>> -> memref<79x128xi32, #tpu.memory_space<hbm>>
      tpu.wait_dma2 semaphore(%run_scoped3A_44 : memref<!tpu.dma_semaphore, #tpu.memory_space<semaphore_mem>>) src(%dma_wait3A_56 : memref<79x128xi32, #tpu.memory_space<hbm>>) dst(%arg6 : memref<79x128xi32, #tpu.memory_space<vmem>>)
      tpu.yield
    }) : () -> ()
    %run_scoped3A_9 = arith.constant 1 : i32
    "tpu.region"() ({
      %run_scoped3A_44 = tpu.sem_alloc : memref<!tpu.dma_semaphore, #tpu.memory_space<semaphore_mem>>
      %dma_start3A_45 = arith.constant 0 : i32
      %dma_start3A_46 = tpu.memref_slice %arg3[%run_scoped3A_9, %add3A_7, %dma_start3A_45] : memref<2x2500x128xi32, #tpu.memory_space<hbm>> -> memref<1x79x128xi32, #tpu.memory_space<hbm>>
      %dma_start3A_47 = tpu.memref_squeeze %dma_start3A_46 : memref<1x79x128xi32, #tpu.memory_space<hbm>> -> memref<79x128xi32, #tpu.memory_space<hbm>>
      %dma_start3A_48 = arith.constant 0 : i32
      %dma_start3A_49 = tpu.memref_slice %arg3[%run_scoped3A_9, %add3A_7, %dma_start3A_48] : memref<2x2500x128xi32, #tpu.memory_space<hbm>> -> memref<1x79x128xi32, #tpu.memory_space<hbm>>
      %dma_start3A_50 = tpu.memref_squeeze %dma_start3A_49 : memref<1x79x128xi32, #tpu.memory_space<hbm>> -> memref<79x128xi32, #tpu.memory_space<hbm>>
      tpu.enqueue_dma source(%dma_start3A_50 : memref<79x128xi32, #tpu.memory_space<hbm>>) target(%arg7 : memref<79x128xi32, #tpu.memory_space<vmem>>) target_semaphore(%run_scoped3A_44 : memref<!tpu.dma_semaphore, #tpu.memory_space<semaphore_mem>>)
      %dma_wait3A_51 = arith.constant 0 : i32
      %dma_wait3A_52 = tpu.memref_slice %arg3[%run_scoped3A_9, %add3A_7, %dma_wait3A_51] : memref<2x2500x128xi32, #tpu.memory_space<hbm>> -> memref<1x79x128xi32, #tpu.memory_space<hbm>>
      %dma_wait3A_53 = tpu.memref_squeeze %dma_wait3A_52 : memref<1x79x128xi32, #tpu.memory_space<hbm>> -> memref<79x128xi32, #tpu.memory_space<hbm>>
      %dma_wait3A_54 = arith.constant 0 : i32
      %dma_wait3A_55 = tpu.memref_slice %arg3[%run_scoped3A_9, %add3A_7, %dma_wait3A_54] : memref<2x2500x128xi32, #tpu.memory_space<hbm>> -> memref<1x79x128xi32, #tpu.memory_space<hbm>>
      %dma_wait3A_56 = tpu.memref_squeeze %dma_wait3A_55 : memref<1x79x128xi32, #tpu.memory_space<hbm>> -> memref<79x128xi32, #tpu.memory_space<hbm>>
      tpu.wait_dma2 semaphore(%run_scoped3A_44 : memref<!tpu.dma_semaphore, #tpu.memory_space<semaphore_mem>>) src(%dma_wait3A_56 : memref<79x128xi32, #tpu.memory_space<hbm>>) dst(%arg7 : memref<79x128xi32, #tpu.memory_space<vmem>>)
      tpu.yield
    }) : () -> ()
    "tpu.region"() ({
      %run_scoped3A_44 = tpu.sem_alloc : memref<!tpu.dma_semaphore, #tpu.memory_space<semaphore_mem>>
      %dma_start3A_45 = arith.constant 0 : i32
      %dma_start3A_46 = tpu.memref_slice %arg12[%mul3A_2, %dma_start3A_45] : memref<10000x64xf32, #tpu.memory_space<vmem_shared>> -> memref<625x64xf32, #tpu.memory_space<vmem_shared>>
      %dma_start3A_47 = arith.constant 0 : i32
      %dma_start3A_48 = tpu.memref_slice %arg2[%mul3A_2, %dma_start3A_47] : memref<10000x64xf32, #tpu.memory_space<hbm>> -> memref<625x64xf32, #tpu.memory_space<hbm>>
      tpu.enqueue_dma source(%dma_start3A_48 : memref<625x64xf32, #tpu.memory_space<hbm>>) target(%dma_start3A_46 : memref<625x64xf32, #tpu.memory_space<vmem_shared>>) target_semaphore(%run_scoped3A_44 : memref<!tpu.dma_semaphore, #tpu.memory_space<semaphore_mem>>)
      %dma_wait3A_49 = arith.constant 0 : i32
      %dma_wait3A_50 = tpu.memref_slice %arg12[%mul3A_2, %dma_wait3A_49] : memref<10000x64xf32, #tpu.memory_space<vmem_shared>> -> memref<625x64xf32, #tpu.memory_space<vmem_shared>>
      %dma_wait3A_51 = arith.constant 0 : i32
      %dma_wait3A_52 = tpu.memref_slice %arg2[%mul3A_2, %dma_wait3A_51] : memref<10000x64xf32, #tpu.memory_space<hbm>> -> memref<625x64xf32, #tpu.memory_space<hbm>>
      tpu.wait_dma2 semaphore(%run_scoped3A_44 : memref<!tpu.dma_semaphore, #tpu.memory_space<semaphore_mem>>) src(%dma_wait3A_52 : memref<625x64xf32, #tpu.memory_space<hbm>>) dst(%dma_wait3A_50 : memref<625x64xf32, #tpu.memory_space<vmem_shared>>)
      tpu.yield
    }) : () -> ()
    %barrier3A = arith.constant 0 : index
    tpu.barrier barrier_id(%barrier3A)
    %dma_start3A = arith.constant 0 : i32
    %dma_start3A_10 = arith.constant 0 : i32
    %dma_start3A_11 = tpu.memref_slice %arg6[%dma_start3A, %dma_start3A_10] : memref<79x128xi32, #tpu.memory_space<vmem>> -> memref<1x128xi32, #tpu.memory_space<vmem>>
    %dma_start3A_12 = tpu.memref_squeeze %dma_start3A_11 : memref<1x128xi32, #tpu.memory_space<vmem>> -> memref<128xi32, #tpu.memory_space<vmem>>
    %dma_start3A_13 = arith.constant 0 : i32
    %dma_start3A_14 = arith.constant 0 : i32
    %dma_start3A_15 = tpu.memref_slice %arg12[%dma_start3A_13, %dma_start3A_14] : memref<10000x64xf32, #tpu.memory_space<vmem_shared>> -> memref<10000x64xf32, #tpu.memory_space<vmem_shared>>
    tpu.enqueue_indirect_dma source(%dma_start3A_15 : memref<10000x64xf32, #tpu.memory_space<vmem_shared>>) target(%arg8 : memref<128x64xf32, #tpu.memory_space<vmem>>) offsets(%dma_start3A_12 : memref<128xi32, #tpu.memory_space<vmem>>) semaphore(%arg13 : memref<!tpu.dma_semaphore, #tpu.memory_space<semaphore_mem>>)
    %dma_start3A_16 = arith.constant 1 : i32
    %dma_start3A_17 = arith.constant 0 : i32
    %dma_start3A_18 = tpu.memref_slice %arg6[%dma_start3A_16, %dma_start3A_17] : memref<79x128xi32, #tpu.memory_space<vmem>> -> memref<1x128xi32, #tpu.memory_space<vmem>>
    %dma_start3A_19 = tpu.memref_squeeze %dma_start3A_18 : memref<1x128xi32, #tpu.memory_space<vmem>> -> memref<128xi32, #tpu.memory_space<vmem>>
    %dma_start3A_20 = arith.constant 0 : i32
    %dma_start3A_21 = arith.constant 0 : i32
    %dma_start3A_22 = tpu.memref_slice %arg12[%dma_start3A_20, %dma_start3A_21] : memref<10000x64xf32, #tpu.memory_space<vmem_shared>> -> memref<10000x64xf32, #tpu.memory_space<vmem_shared>>
    tpu.enqueue_indirect_dma source(%dma_start3A_22 : memref<10000x64xf32, #tpu.memory_space<vmem_shared>>) target(%arg9 : memref<128x64xf32, #tpu.memory_space<vmem>>) offsets(%dma_start3A_19 : memref<128xi32, #tpu.memory_space<vmem>>) semaphore(%arg14 : memref<!tpu.dma_semaphore, #tpu.memory_space<semaphore_mem>>)
    %scan3A = arith.constant 0 : i32
    %scan3A_23 = arith.constant 0 : i32
    %scan3A_24 = arith.constant 26 : i32
    %scan3A_25 = arith.addi %scan3A_23, %scan3A_24 : i32
    %scan3A_26 = arith.constant 1 : i32
    %scan3A_27 = scf.for %scan3A_44 = %scan3A_23 to %scan3A_25 step %scan3A_26 iter_args(%scan3A_45 = %scan3A) -> (i32)  : i32 {
      %mul3A_46 = arith.constant 3 : i32
      %mul3A_47 = arith.muli %mul3A_46, %scan3A_44 : i32
      %dma_wait3A_48 = arith.constant 0 : i32
      %dma_wait3A_49 = arith.constant 0 : i32
      %dma_wait3A_50 = tpu.memref_slice %arg6[%dma_wait3A_48, %dma_wait3A_49] : memref<79x128xi32, #tpu.memory_space<vmem>> -> memref<1x128xi32, #tpu.memory_space<vmem>>
      %dma_wait3A_51 = tpu.memref_squeeze %dma_wait3A_50 : memref<1x128xi32, #tpu.memory_space<vmem>> -> memref<128xi32, #tpu.memory_space<vmem>>
      %dma_wait3A_52 = arith.constant 0 : i32
      %dma_wait3A_53 = arith.constant 0 : i32
      %dma_wait3A_54 = tpu.memref_slice %arg12[%dma_wait3A_52, %dma_wait3A_53] : memref<10000x64xf32, #tpu.memory_space<vmem_shared>> -> memref<10000x64xf32, #tpu.memory_space<vmem_shared>>
      tpu.wait_indirect_dma semaphore(%arg13 : memref<!tpu.dma_semaphore, #tpu.memory_space<semaphore_mem>>) src(%dma_wait3A_54 : memref<10000x64xf32, #tpu.memory_space<vmem_shared>>) dst(%arg8 : memref<128x64xf32, #tpu.memory_space<vmem>>)
      %add3A_55 = arith.constant 2 : i32
      %add3A_56 = arith.addi %mul3A_47, %add3A_55 : i32
      %dma_start3A_57 = arith.constant 0 : i32
      %dma_start3A_58 = tpu.memref_slice %arg6[%add3A_56, %dma_start3A_57] : memref<79x128xi32, #tpu.memory_space<vmem>> -> memref<1x128xi32, #tpu.memory_space<vmem>>
      %dma_start3A_59 = tpu.memref_squeeze %dma_start3A_58 : memref<1x128xi32, #tpu.memory_space<vmem>> -> memref<128xi32, #tpu.memory_space<vmem>>
      %dma_start3A_60 = arith.constant 0 : i32
      %dma_start3A_61 = arith.constant 0 : i32
      %dma_start3A_62 = tpu.memref_slice %arg12[%dma_start3A_60, %dma_start3A_61] : memref<10000x64xf32, #tpu.memory_space<vmem_shared>> -> memref<10000x64xf32, #tpu.memory_space<vmem_shared>>
      tpu.enqueue_indirect_dma source(%dma_start3A_62 : memref<10000x64xf32, #tpu.memory_space<vmem_shared>>) target(%arg10 : memref<128x64xf32, #tpu.memory_space<vmem>>) offsets(%dma_start3A_59 : memref<128xi32, #tpu.memory_space<vmem>>) semaphore(%arg15 : memref<!tpu.dma_semaphore, #tpu.memory_space<semaphore_mem>>)
      "tpu.region"() ({
        %run_scoped3A_101 = tpu.sem_alloc : memref<!tpu.dma_semaphore, #tpu.memory_space<semaphore_mem>>
        %dma_start3A_102 = arith.constant 0 : i32
        %dma_start3A_103 = tpu.memref_slice %arg7[%mul3A_47, %dma_start3A_102] : memref<79x128xi32, #tpu.memory_space<vmem>> -> memref<1x128xi32, #tpu.memory_space<vmem>>
        %dma_start3A_104 = tpu.memref_squeeze %dma_start3A_103 : memref<1x128xi32, #tpu.memory_space<vmem>> -> memref<128xi32, #tpu.memory_space<vmem>>
        %dma_start3A_105 = arith.constant 0 : i32
        %dma_start3A_106 = arith.constant 0 : i32
        %dma_start3A_107 = tpu.memref_slice %arg11[%dma_start3A_105, %dma_start3A_106] : memref<10000x64xf32, #tpu.memory_space<vmem_shared>> -> memref<10000x64xf32, #tpu.memory_space<vmem_shared>>
        tpu.enqueue_indirect_dma source(%arg8 : memref<128x64xf32, #tpu.memory_space<vmem>>) target(%dma_start3A_107 : memref<10000x64xf32, #tpu.memory_space<vmem_shared>>) offsets(%dma_start3A_104 : memref<128xi32, #tpu.memory_space<vmem>>) semaphore(%run_scoped3A_101 : memref<!tpu.dma_semaphore, #tpu.memory_space<semaphore_mem>>) {add = true}
        %dma_wait3A_108 = arith.constant 0 : i32
        %dma_wait3A_109 = tpu.memref_slice %arg7[%mul3A_47, %dma_wait3A_108] : memref<79x128xi32, #tpu.memory_space<vmem>> -> memref<1x128xi32, #tpu.memory_space<vmem>>
        %dma_wait3A_110 = tpu.memref_squeeze %dma_wait3A_109 : memref<1x128xi32, #tpu.memory_space<vmem>> -> memref<128xi32, #tpu.memory_space<vmem>>
        %dma_wait3A_111 = arith.constant 0 : i32
        %dma_wait3A_112 = arith.constant 0 : i32
        %dma_wait3A_113 = tpu.memref_slice %arg11[%dma_wait3A_111, %dma_wait3A_112] : memref<10000x64xf32, #tpu.memory_space<vmem_shared>> -> memref<10000x64xf32, #tpu.memory_space<vmem_shared>>
        tpu.wait_indirect_dma semaphore(%run_scoped3A_101 : memref<!tpu.dma_semaphore, #tpu.memory_space<semaphore_mem>>) src(%arg8 : memref<128x64xf32, #tpu.memory_space<vmem>>) dst(%dma_wait3A_113 : memref<10000x64xf32, #tpu.memory_space<vmem_shared>>)
        tpu.yield
      }) : () -> ()
      %dma_wait3A_63 = arith.constant 0 : i32
      %dma_wait3A_64 = arith.constant 0 : i32
      %dma_wait3A_65 = tpu.memref_slice %arg6[%dma_wait3A_63, %dma_wait3A_64] : memref<79x128xi32, #tpu.memory_space<vmem>> -> memref<1x128xi32, #tpu.memory_space<vmem>>
      %dma_wait3A_66 = tpu.memref_squeeze %dma_wait3A_65 : memref<1x128xi32, #tpu.memory_space<vmem>> -> memref<128xi32, #tpu.memory_space<vmem>>
      %dma_wait3A_67 = arith.constant 0 : i32
      %dma_wait3A_68 = arith.constant 0 : i32
      %dma_wait3A_69 = tpu.memref_slice %arg12[%dma_wait3A_67, %dma_wait3A_68] : memref<10000x64xf32, #tpu.memory_space<vmem_shared>> -> memref<10000x64xf32, #tpu.memory_space<vmem_shared>>
      tpu.wait_indirect_dma semaphore(%arg14 : memref<!tpu.dma_semaphore, #tpu.memory_space<semaphore_mem>>) src(%dma_wait3A_69 : memref<10000x64xf32, #tpu.memory_space<vmem_shared>>) dst(%arg9 : memref<128x64xf32, #tpu.memory_space<vmem>>)
      %add3A_70 = arith.constant 3 : i32
      %add3A_71 = arith.addi %mul3A_47, %add3A_70 : i32
      %min3A = arith.constant 77 : i32
      %min3A_72 = arith.minsi %add3A_71, %min3A : i32
      %dma_start3A_73 = arith.constant 0 : i32
      %dma_start3A_74 = tpu.memref_slice %arg6[%min3A_72, %dma_start3A_73] : memref<79x128xi32, #tpu.memory_space<vmem>> -> memref<1x128xi32, #tpu.memory_space<vmem>>
      %dma_start3A_75 = tpu.memref_squeeze %dma_start3A_74 : memref<1x128xi32, #tpu.memory_space<vmem>> -> memref<128xi32, #tpu.memory_space<vmem>>
      %dma_start3A_76 = arith.constant 0 : i32
      %dma_start3A_77 = arith.constant 0 : i32
      %dma_start3A_78 = tpu.memref_slice %arg12[%dma_start3A_76, %dma_start3A_77] : memref<10000x64xf32, #tpu.memory_space<vmem_shared>> -> memref<10000x64xf32, #tpu.memory_space<vmem_shared>>
      tpu.enqueue_indirect_dma source(%dma_start3A_78 : memref<10000x64xf32, #tpu.memory_space<vmem_shared>>) target(%arg8 : memref<128x64xf32, #tpu.memory_space<vmem>>) offsets(%dma_start3A_75 : memref<128xi32, #tpu.memory_space<vmem>>) semaphore(%arg13 : memref<!tpu.dma_semaphore, #tpu.memory_space<semaphore_mem>>)
      %add3A_79 = arith.constant 1 : i32
      %add3A_80 = arith.addi %mul3A_47, %add3A_79 : i32
      "tpu.region"() ({
        %run_scoped3A_101 = tpu.sem_alloc : memref<!tpu.dma_semaphore, #tpu.memory_space<semaphore_mem>>
        %dma_start3A_102 = arith.constant 0 : i32
        %dma_start3A_103 = tpu.memref_slice %arg7[%add3A_80, %dma_start3A_102] : memref<79x128xi32, #tpu.memory_space<vmem>> -> memref<1x128xi32, #tpu.memory_space<vmem>>
        %dma_start3A_104 = tpu.memref_squeeze %dma_start3A_103 : memref<1x128xi32, #tpu.memory_space<vmem>> -> memref<128xi32, #tpu.memory_space<vmem>>
        %dma_start3A_105 = arith.constant 0 : i32
        %dma_start3A_106 = arith.constant 0 : i32
        %dma_start3A_107 = tpu.memref_slice %arg11[%dma_start3A_105, %dma_start3A_106] : memref<10000x64xf32, #tpu.memory_space<vmem_shared>> -> memref<10000x64xf32, #tpu.memory_space<vmem_shared>>
        tpu.enqueue_indirect_dma source(%arg9 : memref<128x64xf32, #tpu.memory_space<vmem>>) target(%dma_start3A_107 : memref<10000x64xf32, #tpu.memory_space<vmem_shared>>) offsets(%dma_start3A_104 : memref<128xi32, #tpu.memory_space<vmem>>) semaphore(%run_scoped3A_101 : memref<!tpu.dma_semaphore, #tpu.memory_space<semaphore_mem>>) {add = true}
        %dma_wait3A_108 = arith.constant 0 : i32
        %dma_wait3A_109 = tpu.memref_slice %arg7[%add3A_80, %dma_wait3A_108] : memref<79x128xi32, #tpu.memory_space<vmem>> -> memref<1x128xi32, #tpu.memory_space<vmem>>
        %dma_wait3A_110 = tpu.memref_squeeze %dma_wait3A_109 : memref<1x128xi32, #tpu.memory_space<vmem>> -> memref<128xi32, #tpu.memory_space<vmem>>
        %dma_wait3A_111 = arith.constant 0 : i32
        %dma_wait3A_112 = arith.constant 0 : i32
        %dma_wait3A_113 = tpu.memref_slice %arg11[%dma_wait3A_111, %dma_wait3A_112] : memref<10000x64xf32, #tpu.memory_space<vmem_shared>> -> memref<10000x64xf32, #tpu.memory_space<vmem_shared>>
        tpu.wait_indirect_dma semaphore(%run_scoped3A_101 : memref<!tpu.dma_semaphore, #tpu.memory_space<semaphore_mem>>) src(%arg9 : memref<128x64xf32, #tpu.memory_space<vmem>>) dst(%dma_wait3A_113 : memref<10000x64xf32, #tpu.memory_space<vmem_shared>>)
        tpu.yield
      }) : () -> ()
      %dma_wait3A_81 = arith.constant 0 : i32
      %dma_wait3A_82 = arith.constant 0 : i32
      %dma_wait3A_83 = tpu.memref_slice %arg6[%dma_wait3A_81, %dma_wait3A_82] : memref<79x128xi32, #tpu.memory_space<vmem>> -> memref<1x128xi32, #tpu.memory_space<vmem>>
      %dma_wait3A_84 = tpu.memref_squeeze %dma_wait3A_83 : memref<1x128xi32, #tpu.memory_space<vmem>> -> memref<128xi32, #tpu.memory_space<vmem>>
      %dma_wait3A_85 = arith.constant 0 : i32
      %dma_wait3A_86 = arith.constant 0 : i32
      %dma_wait3A_87 = tpu.memref_slice %arg12[%dma_wait3A_85, %dma_wait3A_86] : memref<10000x64xf32, #tpu.memory_space<vmem_shared>> -> memref<10000x64xf32, #tpu.memory_space<vmem_shared>>
      tpu.wait_indirect_dma semaphore(%arg15 : memref<!tpu.dma_semaphore, #tpu.memory_space<semaphore_mem>>) src(%dma_wait3A_87 : memref<10000x64xf32, #tpu.memory_space<vmem_shared>>) dst(%arg10 : memref<128x64xf32, #tpu.memory_space<vmem>>)
      %add3A_88 = arith.constant 4 : i32
      %add3A_89 = arith.addi %mul3A_47, %add3A_88 : i32
      %min3A_90 = arith.constant 77 : i32
      %min3A_91 = arith.minsi %add3A_89, %min3A_90 : i32
      %dma_start3A_92 = arith.constant 0 : i32
      %dma_start3A_93 = tpu.memref_slice %arg6[%min3A_91, %dma_start3A_92] : memref<79x128xi32, #tpu.memory_space<vmem>> -> memref<1x128xi32, #tpu.memory_space<vmem>>
      %dma_start3A_94 = tpu.memref_squeeze %dma_start3A_93 : memref<1x128xi32, #tpu.memory_space<vmem>> -> memref<128xi32, #tpu.memory_space<vmem>>
      %dma_start3A_95 = arith.constant 0 : i32
      %dma_start3A_96 = arith.constant 0 : i32
      %dma_start3A_97 = tpu.memref_slice %arg12[%dma_start3A_95, %dma_start3A_96] : memref<10000x64xf32, #tpu.memory_space<vmem_shared>> -> memref<10000x64xf32, #tpu.memory_space<vmem_shared>>
      tpu.enqueue_indirect_dma source(%dma_start3A_97 : memref<10000x64xf32, #tpu.memory_space<vmem_shared>>) target(%arg9 : memref<128x64xf32, #tpu.memory_space<vmem>>) offsets(%dma_start3A_94 : memref<128xi32, #tpu.memory_space<vmem>>) semaphore(%arg14 : memref<!tpu.dma_semaphore, #tpu.memory_space<semaphore_mem>>)
      %add3A_98 = arith.constant 2 : i32
      %add3A_99 = arith.addi %mul3A_47, %add3A_98 : i32
      "tpu.region"() ({
        %run_scoped3A_101 = tpu.sem_alloc : memref<!tpu.dma_semaphore, #tpu.memory_space<semaphore_mem>>
        %dma_start3A_102 = arith.constant 0 : i32
        %dma_start3A_103 = tpu.memref_slice %arg7[%add3A_99, %dma_start3A_102] : memref<79x128xi32, #tpu.memory_space<vmem>> -> memref<1x128xi32, #tpu.memory_space<vmem>>
        %dma_start3A_104 = tpu.memref_squeeze %dma_start3A_103 : memref<1x128xi32, #tpu.memory_space<vmem>> -> memref<128xi32, #tpu.memory_space<vmem>>
        %dma_start3A_105 = arith.constant 0 : i32
        %dma_start3A_106 = arith.constant 0 : i32
        %dma_start3A_107 = tpu.memref_slice %arg11[%dma_start3A_105, %dma_start3A_106] : memref<10000x64xf32, #tpu.memory_space<vmem_shared>> -> memref<10000x64xf32, #tpu.memory_space<vmem_shared>>
        tpu.enqueue_indirect_dma source(%arg10 : memref<128x64xf32, #tpu.memory_space<vmem>>) target(%dma_start3A_107 : memref<10000x64xf32, #tpu.memory_space<vmem_shared>>) offsets(%dma_start3A_104 : memref<128xi32, #tpu.memory_space<vmem>>) semaphore(%run_scoped3A_101 : memref<!tpu.dma_semaphore, #tpu.memory_space<semaphore_mem>>) {add = true}
        %dma_wait3A_108 = arith.constant 0 : i32
        %dma_wait3A_109 = tpu.memref_slice %arg7[%add3A_99, %dma_wait3A_108] : memref<79x128xi32, #tpu.memory_space<vmem>> -> memref<1x128xi32, #tpu.memory_space<vmem>>
        %dma_wait3A_110 = tpu.memref_squeeze %dma_wait3A_109 : memref<1x128xi32, #tpu.memory_space<vmem>> -> memref<128xi32, #tpu.memory_space<vmem>>
        %dma_wait3A_111 = arith.constant 0 : i32
        %dma_wait3A_112 = arith.constant 0 : i32
        %dma_wait3A_113 = tpu.memref_slice %arg11[%dma_wait3A_111, %dma_wait3A_112] : memref<10000x64xf32, #tpu.memory_space<vmem_shared>> -> memref<10000x64xf32, #tpu.memory_space<vmem_shared>>
        tpu.wait_indirect_dma semaphore(%run_scoped3A_101 : memref<!tpu.dma_semaphore, #tpu.memory_space<semaphore_mem>>) src(%arg10 : memref<128x64xf32, #tpu.memory_space<vmem>>) dst(%dma_wait3A_113 : memref<10000x64xf32, #tpu.memory_space<vmem_shared>>)
        tpu.yield
      }) : () -> ()
      %scan3A_100 = arith.constant 0 : i32
      scf.yield %scan3A_100 : i32
    }
    %scan3A_28 = arith.constant 26 : i32
    %dma_wait3A = arith.constant 0 : i32
    %dma_wait3A_29 = arith.constant 0 : i32
    %dma_wait3A_30 = tpu.memref_slice %arg6[%dma_wait3A, %dma_wait3A_29] : memref<79x128xi32, #tpu.memory_space<vmem>> -> memref<1x128xi32, #tpu.memory_space<vmem>>
    %dma_wait3A_31 = tpu.memref_squeeze %dma_wait3A_30 : memref<1x128xi32, #tpu.memory_space<vmem>> -> memref<128xi32, #tpu.memory_space<vmem>>
    %dma_wait3A_32 = arith.constant 0 : i32
    %dma_wait3A_33 = arith.constant 0 : i32
    %dma_wait3A_34 = tpu.memref_slice %arg12[%dma_wait3A_32, %dma_wait3A_33] : memref<10000x64xf32, #tpu.memory_space<vmem_shared>> -> memref<10000x64xf32, #tpu.memory_space<vmem_shared>>
    tpu.wait_indirect_dma semaphore(%arg13 : memref<!tpu.dma_semaphore, #tpu.memory_space<semaphore_mem>>) src(%dma_wait3A_34 : memref<10000x64xf32, #tpu.memory_space<vmem_shared>>) dst(%arg8 : memref<128x64xf32, #tpu.memory_space<vmem>>)
    %dma_wait3A_35 = arith.constant 0 : i32
    %dma_wait3A_36 = arith.constant 0 : i32
    %dma_wait3A_37 = tpu.memref_slice %arg6[%dma_wait3A_35, %dma_wait3A_36] : memref<79x128xi32, #tpu.memory_space<vmem>> -> memref<1x128xi32, #tpu.memory_space<vmem>>
    %dma_wait3A_38 = tpu.memref_squeeze %dma_wait3A_37 : memref<1x128xi32, #tpu.memory_space<vmem>> -> memref<128xi32, #tpu.memory_space<vmem>>
    %dma_wait3A_39 = arith.constant 0 : i32
    %dma_wait3A_40 = arith.constant 0 : i32
    %dma_wait3A_41 = tpu.memref_slice %arg12[%dma_wait3A_39, %dma_wait3A_40] : memref<10000x64xf32, #tpu.memory_space<vmem_shared>> -> memref<10000x64xf32, #tpu.memory_space<vmem_shared>>
    tpu.wait_indirect_dma semaphore(%arg14 : memref<!tpu.dma_semaphore, #tpu.memory_space<semaphore_mem>>) src(%dma_wait3A_41 : memref<10000x64xf32, #tpu.memory_space<vmem_shared>>) dst(%arg9 : memref<128x64xf32, #tpu.memory_space<vmem>>)
    %convert_element_type3A = arith.extui %ge3A_8 : i1 to i32
    %cond3A = arith.constant 0 : i32
    %cond3A_42 = arith.cmpi ne, %convert_element_type3A, %cond3A : i32
    scf.if %cond3A_42 {
      %dma_start3A_44 = arith.constant 78 : i32
      %dma_start3A_45 = arith.constant 0 : i32
      %dma_start3A_46 = tpu.memref_slice %arg6[%dma_start3A_44, %dma_start3A_45] : memref<79x128xi32, #tpu.memory_space<vmem>> -> memref<1x128xi32, #tpu.memory_space<vmem>>
      %dma_start3A_47 = tpu.memref_squeeze %dma_start3A_46 : memref<1x128xi32, #tpu.memory_space<vmem>> -> memref<128xi32, #tpu.memory_space<vmem>>
      %dma_start3A_48 = arith.constant 0 : i32
      %dma_start3A_49 = arith.constant 0 : i32
      %dma_start3A_50 = tpu.memref_slice %arg12[%dma_start3A_48, %dma_start3A_49] : memref<10000x64xf32, #tpu.memory_space<vmem_shared>> -> memref<10000x64xf32, #tpu.memory_space<vmem_shared>>
      tpu.enqueue_indirect_dma source(%dma_start3A_50 : memref<10000x64xf32, #tpu.memory_space<vmem_shared>>) target(%arg8 : memref<128x64xf32, #tpu.memory_space<vmem>>) offsets(%dma_start3A_47 : memref<128xi32, #tpu.memory_space<vmem>>) semaphore(%arg13 : memref<!tpu.dma_semaphore, #tpu.memory_space<semaphore_mem>>)
      %dma_wait3A_51 = arith.constant 78 : i32
      %dma_wait3A_52 = arith.constant 0 : i32
      %dma_wait3A_53 = tpu.memref_slice %arg6[%dma_wait3A_51, %dma_wait3A_52] : memref<79x128xi32, #tpu.memory_space<vmem>> -> memref<1x128xi32, #tpu.memory_space<vmem>>
      %dma_wait3A_54 = tpu.memref_squeeze %dma_wait3A_53 : memref<1x128xi32, #tpu.memory_space<vmem>> -> memref<128xi32, #tpu.memory_space<vmem>>
      %dma_wait3A_55 = arith.constant 0 : i32
      %dma_wait3A_56 = arith.constant 0 : i32
      %dma_wait3A_57 = tpu.memref_slice %arg12[%dma_wait3A_55, %dma_wait3A_56] : memref<10000x64xf32, #tpu.memory_space<vmem_shared>> -> memref<10000x64xf32, #tpu.memory_space<vmem_shared>>
      tpu.wait_indirect_dma semaphore(%arg13 : memref<!tpu.dma_semaphore, #tpu.memory_space<semaphore_mem>>) src(%dma_wait3A_57 : memref<10000x64xf32, #tpu.memory_space<vmem_shared>>) dst(%arg8 : memref<128x64xf32, #tpu.memory_space<vmem>>)
      %run_scoped3A_58 = arith.constant 78 : i32
      "tpu.region"() ({
        %run_scoped3A_59 = tpu.sem_alloc : memref<!tpu.dma_semaphore, #tpu.memory_space<semaphore_mem>>
        %dma_start3A_60 = arith.constant 0 : i32
        %dma_start3A_61 = tpu.memref_slice %arg7[%run_scoped3A_58, %dma_start3A_60] : memref<79x128xi32, #tpu.memory_space<vmem>> -> memref<1x128xi32, #tpu.memory_space<vmem>>
        %dma_start3A_62 = tpu.memref_squeeze %dma_start3A_61 : memref<1x128xi32, #tpu.memory_space<vmem>> -> memref<128xi32, #tpu.memory_space<vmem>>
        %dma_start3A_63 = arith.constant 0 : i32
        %dma_start3A_64 = arith.constant 0 : i32
        %dma_start3A_65 = tpu.memref_slice %arg11[%dma_start3A_63, %dma_start3A_64] : memref<10000x64xf32, #tpu.memory_space<vmem_shared>> -> memref<10000x64xf32, #tpu.memory_space<vmem_shared>>
        tpu.enqueue_indirect_dma source(%arg8 : memref<128x64xf32, #tpu.memory_space<vmem>>) target(%dma_start3A_65 : memref<10000x64xf32, #tpu.memory_space<vmem_shared>>) offsets(%dma_start3A_62 : memref<128xi32, #tpu.memory_space<vmem>>) semaphore(%run_scoped3A_59 : memref<!tpu.dma_semaphore, #tpu.memory_space<semaphore_mem>>) {add = true}
        %dma_wait3A_66 = arith.constant 0 : i32
        %dma_wait3A_67 = tpu.memref_slice %arg7[%run_scoped3A_58, %dma_wait3A_66] : memref<79x128xi32, #tpu.memory_space<vmem>> -> memref<1x128xi32, #tpu.memory_space<vmem>>
        %dma_wait3A_68 = tpu.memref_squeeze %dma_wait3A_67 : memref<1x128xi32, #tpu.memory_space<vmem>> -> memref<128xi32, #tpu.memory_space<vmem>>
        %dma_wait3A_69 = arith.constant 0 : i32
        %dma_wait3A_70 = arith.constant 0 : i32
        %dma_wait3A_71 = tpu.memref_slice %arg11[%dma_wait3A_69, %dma_wait3A_70] : memref<10000x64xf32, #tpu.memory_space<vmem_shared>> -> memref<10000x64xf32, #tpu.memory_space<vmem_shared>>
        tpu.wait_indirect_dma semaphore(%run_scoped3A_59 : memref<!tpu.dma_semaphore, #tpu.memory_space<semaphore_mem>>) src(%arg8 : memref<128x64xf32, #tpu.memory_space<vmem>>) dst(%dma_wait3A_71 : memref<10000x64xf32, #tpu.memory_space<vmem_shared>>)
        tpu.yield
      }) : () -> ()
    } else {
    }
    %barrier3A_43 = arith.constant 0 : index
    tpu.barrier barrier_id(%barrier3A_43)
    "tpu.region"() ({
      %run_scoped3A_44 = tpu.sem_alloc : memref<!tpu.dma_semaphore, #tpu.memory_space<semaphore_mem>>
      %dma_start3A_45 = arith.constant 0 : i32
      %dma_start3A_46 = tpu.memref_slice %arg5[%arg0, %mul3A_2, %dma_start3A_45] : memref<2x10000x64xf32, #tpu.memory_space<hbm>> -> memref<1x625x64xf32, #tpu.memory_space<hbm>>
      %dma_start3A_47 = tpu.memref_squeeze %dma_start3A_46 : memref<1x625x64xf32, #tpu.memory_space<hbm>> -> memref<625x64xf32, #tpu.memory_space<hbm>>
      %dma_start3A_48 = arith.constant 0 : i32
      %dma_start3A_49 = tpu.memref_slice %arg11[%mul3A_2, %dma_start3A_48] : memref<10000x64xf32, #tpu.memory_space<vmem_shared>> -> memref<625x64xf32, #tpu.memory_space<vmem_shared>>
      tpu.enqueue_dma source(%dma_start3A_49 : memref<625x64xf32, #tpu.memory_space<vmem_shared>>) target(%dma_start3A_47 : memref<625x64xf32, #tpu.memory_space<hbm>>) target_semaphore(%run_scoped3A_44 : memref<!tpu.dma_semaphore, #tpu.memory_space<semaphore_mem>>)
      %dma_wait3A_50 = arith.constant 0 : i32
      %dma_wait3A_51 = tpu.memref_slice %arg5[%arg0, %mul3A_2, %dma_wait3A_50] : memref<2x10000x64xf32, #tpu.memory_space<hbm>> -> memref<1x625x64xf32, #tpu.memory_space<hbm>>
      %dma_wait3A_52 = tpu.memref_squeeze %dma_wait3A_51 : memref<1x625x64xf32, #tpu.memory_space<hbm>> -> memref<625x64xf32, #tpu.memory_space<hbm>>
      %dma_wait3A_53 = arith.constant 0 : i32
      %dma_wait3A_54 = tpu.memref_slice %arg11[%mul3A_2, %dma_wait3A_53] : memref<10000x64xf32, #tpu.memory_space<vmem_shared>> -> memref<625x64xf32, #tpu.memory_space<vmem_shared>>
      tpu.wait_dma2 semaphore(%run_scoped3A_44 : memref<!tpu.dma_semaphore, #tpu.memory_space<semaphore_mem>>) src(%dma_wait3A_54 : memref<625x64xf32, #tpu.memory_space<vmem_shared>>) dst(%dma_wait3A_52 : memref<625x64xf32, #tpu.memory_space<hbm>>)
      tpu.yield
    }) : () -> ()
    return
  }
}

module attributes {stable_mosaic.version = 14 : i64} {
  func.func @_proj_body(%arg0: i32, %arg1: memref<2000x128xf32, #tpu.memory_space<vmem>>, %arg2: memref<128x64xf32, #tpu.memory_space<vmem>>, %arg3: memref<1x64xf32, #tpu.memory_space<vmem>>, %arg4: memref<2000x64xf32, #tpu.memory_space<vmem>>) attributes {dimension_semantics = [#tpu.dimension_semantics<arbitrary>], iteration_bounds = array<i64: 5>, scalar_prefetch = 0 : i64, scratch_operands = 0 : i64, tpu.core_type = #tpu.core_type<tc>, window_params = [{transform_indices = @transform_0, window_bounds = array<i64: 2000, 128>}, {pipeline_mode = #tpu.pipeline_mode<synchronous>, transform_indices = @transform_1, window_bounds = array<i64: 128, 64>}, {pipeline_mode = #tpu.pipeline_mode<synchronous>, transform_indices = @transform_2, window_bounds = array<i64: 1, 64>}, {transform_indices = @transform_3, window_bounds = array<i64: 2000, 64>}]} {
    %get3A = arith.constant 0 : index
    %get3A_0 = arith.constant 0 : index
    %get3A_1 = vector.load %arg1[%get3A, %get3A_0] : memref<2000x128xf32, #tpu.memory_space<vmem>>, vector<2000x128xf32>
    %get3A_2 = arith.constant 0 : index
    %get3A_3 = arith.constant 0 : index
    %get3A_4 = vector.load %arg2[%get3A_2, %get3A_3] : memref<128x64xf32, #tpu.memory_space<vmem>>, vector<128x64xf32>
    %dot_general3A = arith.constant dense<0.000000e+00> : vector<2000x64xf32>
    %dot_general3A_5 = tpu.matmul %get3A_1, %get3A_4, %dot_general3A {dimension_numbers = #tpu.dot_dimension_numbers<[1], [0], [0], [1], [0, 0, 1, 1], [], []>, transpose_lhs_hint = false} : vector<2000x128xf32>, vector<128x64xf32>, vector<2000x64xf32> -> vector<2000x64xf32>
    %get3A_6 = arith.constant 0 : index
    %get3A_7 = arith.constant 0 : index
    %get3A_8 = vector.load %arg3[%get3A_6, %get3A_7] : memref<1x64xf32, #tpu.memory_space<vmem>>, vector<1x64xf32>
    %add3A = vector.broadcast %get3A_8 : vector<1x64xf32> to vector<2000x64xf32>
    %add3A_9 = arith.addf %dot_general3A_5, %add3A : vector<2000x64xf32>
    %max3A = arith.constant 0.000000e+00 : f32
    %max3A_10 = vector.broadcast %max3A : f32 to vector<2000x64xf32>
    %max3A_11 = arith.maximumf %add3A_9, %max3A_10 : vector<2000x64xf32>
    %swap3A = arith.constant 0 : index
    %swap3A_12 = arith.constant 0 : index
    %swap3A_13 = vector.load %arg4[%swap3A, %swap3A_12] : memref<2000x64xf32, #tpu.memory_space<vmem>>, vector<2000x64xf32>
    tpu.vector_store %arg4[%swap3A, %swap3A_12], %max3A_11 {strides = array<i32>} : memref<2000x64xf32, #tpu.memory_space<vmem>>, vector<2000x64xf32>,
    return
  }
  func.func @transform_0(%arg0: i32) -> (i32, i32) {
    %c0_i32 = arith.constant 0 : i32
    %c0_i32_0 = arith.constant 0 : i32
    return %arg0, %c0_i32 : i32, i32
  }
  func.func @transform_1(%arg0: i32) -> (i32, i32) {
    %c0_i32 = arith.constant 0 : i32
    %c0_i32_0 = arith.constant 0 : i32
    %c0_i32_1 = arith.constant 0 : i32
    return %c0_i32, %c0_i32_0 : i32, i32
  }
  func.func @transform_2(%arg0: i32) -> (i32, i32) {
    %c0_i32 = arith.constant 0 : i32
    %c0_i32_0 = arith.constant 0 : i32
    %c0_i32_1 = arith.constant 0 : i32
    return %c0_i32, %c0_i32_0 : i32, i32
  }
  func.func @transform_3(%arg0: i32) -> (i32, i32) {
    %c0_i32 = arith.constant 0 : i32
    %c0_i32_0 = arith.constant 0 : i32
    return %arg0, %c0_i32 : i32, i32
  }
}

module attributes {stable_mosaic.version = 14 : i64} {
  func.func @_inv_body(%arg0: i32, %arg1: memref<2x640x128xf32, #tpu.memory_space<vmem>>, %arg2: memref<640x128xf32, #tpu.memory_space<vmem>>) attributes {dimension_semantics = [#tpu.dimension_semantics<arbitrary>], iteration_bounds = array<i64: 1>, scalar_prefetch = 0 : i64, scratch_operands = 0 : i64, tpu.core_type = #tpu.core_type<tc>, window_params = [{pipeline_mode = #tpu.pipeline_mode<synchronous>, transform_indices = @transform_0, window_bounds = array<i64: 2, 640, 128>}, {pipeline_mode = #tpu.pipeline_mode<synchronous>, transform_indices = @transform_1, window_bounds = array<i64: 640, 128>}]} {
    %get3A = arith.constant 0 : index
    %get3A_0 = arith.constant 0 : index
    %get3A_1 = arith.constant 0 : index
    %get3A_2 = vector.load %arg1[%get3A, %get3A_0, %get3A_1] : memref<2x640x128xf32, #tpu.memory_space<vmem>>, vector<1x640x128xf32>
    %get3A_3 = vector.shape_cast %get3A_2 : vector<1x640x128xf32> to vector<640x128xf32>
    %get3A_4 = arith.constant 1 : index
    %get3A_5 = arith.constant 0 : index
    %get3A_6 = arith.constant 0 : index
    %get3A_7 = vector.load %arg1[%get3A_4, %get3A_5, %get3A_6] : memref<2x640x128xf32, #tpu.memory_space<vmem>>, vector<1x640x128xf32>
    %get3A_8 = vector.shape_cast %get3A_7 : vector<1x640x128xf32> to vector<640x128xf32>
    %add3A = arith.addf %get3A_3, %get3A_8 : vector<640x128xf32>
    %max3A = arith.constant 1.000000e+00 : f32
    %max3A_9 = vector.broadcast %max3A : f32 to vector<640x128xf32>
    %max3A_10 = arith.maximumf %add3A, %max3A_9 : vector<640x128xf32>
    %swap3A = arith.constant 0 : index
    %swap3A_11 = arith.constant 0 : index
    %swap3A_12 = vector.load %arg2[%swap3A, %swap3A_11] : memref<640x128xf32, #tpu.memory_space<vmem>>, vector<640x128xf32>
    tpu.vector_store %arg2[%swap3A, %swap3A_11], %max3A_10 {strides = array<i32>} : memref<640x128xf32, #tpu.memory_space<vmem>>, vector<640x128xf32>,
    return
  }
  func.func @transform_0(%arg0: i32) -> (i32, i32, i32) {
    %c0_i32 = arith.constant 0 : i32
    %c0_i32_0 = arith.constant 0 : i32
    %c0_i32_1 = arith.constant 0 : i32
    %c0_i32_2 = arith.constant 0 : i32
    return %c0_i32, %c0_i32_0, %c0_i32_1 : i32, i32, i32
  }
  func.func @transform_1(%arg0: i32) -> (i32, i32) {
    %c0_i32 = arith.constant 0 : i32
    %c0_i32_0 = arith.constant 0 : i32
    %c0_i32_1 = arith.constant 0 : i32
    return %c0_i32, %c0_i32_0 : i32, i32
  }
}

module attributes {stable_mosaic.version = 14 : i64} {
  func.func @_upd_body(%arg0: i32, %arg1: memref<2x1000x128xf32, #tpu.memory_space<vmem>>, %arg2: memref<1000x16xf32, #tpu.memory_space<vmem>>, %arg3: memref<1000x128xf32, #tpu.memory_space<vmem>>, %arg4: memref<128x128xf32, #tpu.memory_space<vmem>>, %arg5: memref<1x128xf32, #tpu.memory_space<vmem>>, %arg6: memref<128x128xf32, #tpu.memory_space<vmem>>, %arg7: memref<1000x128xf32, #tpu.memory_space<vmem>>) attributes {dimension_semantics = [#tpu.dimension_semantics<arbitrary>], iteration_bounds = array<i64: 5>, scalar_prefetch = 0 : i64, scratch_operands = 0 : i64, tpu.core_type = #tpu.core_type<tc>, window_params = [{transform_indices = @transform_0, window_bounds = array<i64: 2, 1000, 128>}, {transform_indices = @transform_1, window_bounds = array<i64: 1000, 16>}, {transform_indices = @transform_2, window_bounds = array<i64: 1000, 128>}, {pipeline_mode = #tpu.pipeline_mode<synchronous>, transform_indices = @transform_3, window_bounds = array<i64: 128, 128>}, {pipeline_mode = #tpu.pipeline_mode<synchronous>, transform_indices = @transform_4, window_bounds = array<i64: 1, 128>}, {pipeline_mode = #tpu.pipeline_mode<synchronous>, transform_indices = @transform_5, window_bounds = array<i64: 128, 128>}, {transform_indices = @transform_6, window_bounds = array<i64: 1000, 128>}]} {
    %get3A = arith.constant 0 : index
    %get3A_0 = arith.constant 0 : index
    %get3A_1 = arith.constant 0 : index
    %get3A_2 = vector.load %arg1[%get3A, %get3A_0, %get3A_1] : memref<2x1000x128xf32, #tpu.memory_space<vmem>>, vector<1x1000x128xf32>
    %get3A_3 = vector.shape_cast %get3A_2 : vector<1x1000x128xf32> to vector<1000x128xf32>
    %get3A_4 = arith.constant 1 : index
    %get3A_5 = arith.constant 0 : index
    %get3A_6 = arith.constant 0 : index
    %get3A_7 = vector.load %arg1[%get3A_4, %get3A_5, %get3A_6] : memref<2x1000x128xf32, #tpu.memory_space<vmem>>, vector<1x1000x128xf32>
    %get3A_8 = vector.shape_cast %get3A_7 : vector<1x1000x128xf32> to vector<1000x128xf32>
    %add3A = arith.addf %get3A_3, %get3A_8 : vector<1000x128xf32>
    %get3A_9 = arith.constant 0 : index
    %get3A_10 = arith.constant 0 : index
    %get3A_11 = vector.load %arg2[%get3A_9, %get3A_10] : memref<1000x16xf32, #tpu.memory_space<vmem>>, vector<1000x16xf32>
    %slice3A = vector.extract_strided_slice %get3A_11 {offsets = [0, 0], sizes = [1000, 1], strides = [1, 1]} : vector<1000x16xf32> to vector<1000x1xf32>
    %broadcast_in_dim3A = vector.shape_cast %slice3A : vector<1000x1xf32> to vector<1000x1xf32>
    %broadcast_in_dim3A_12 = vector.broadcast %broadcast_in_dim3A : vector<1000x1xf32> to vector<1000x64xf32>
    %slice3A_13 = vector.extract_strided_slice %get3A_11 {offsets = [0, 8], sizes = [1000, 1], strides = [1, 1]} : vector<1000x16xf32> to vector<1000x1xf32>
    %broadcast_in_dim3A_14 = vector.shape_cast %slice3A_13 : vector<1000x1xf32> to vector<1000x1xf32>
    %broadcast_in_dim3A_15 = vector.broadcast %broadcast_in_dim3A_14 : vector<1000x1xf32> to vector<1000x64xf32>
    %concatenate3A = tpu.concatenate %broadcast_in_dim3A_12, %broadcast_in_dim3A_15 in 1 : vector<1000x64xf32>, vector<1000x64xf32> -> vector<1000x128xf32>
    %div3A = arith.divf %add3A, %concatenate3A : vector<1000x128xf32>
    %get3A_16 = arith.constant 0 : index
    %get3A_17 = arith.constant 0 : index
    %get3A_18 = vector.load %arg4[%get3A_16, %get3A_17] : memref<128x128xf32, #tpu.memory_space<vmem>>, vector<128x128xf32>
    %dot_general3A = arith.constant dense<0.000000e+00> : vector<1000x128xf32>
    %dot_general3A_19 = tpu.matmul %div3A, %get3A_18, %dot_general3A {dimension_numbers = #tpu.dot_dimension_numbers<[1], [0], [0], [1], [0, 0, 1, 1], [], []>, transpose_lhs_hint = false} : vector<1000x128xf32>, vector<128x128xf32>, vector<1000x128xf32> -> vector<1000x128xf32>
    %get3A_20 = arith.constant 0 : index
    %get3A_21 = arith.constant 0 : index
    %get3A_22 = vector.load %arg3[%get3A_20, %get3A_21] : memref<1000x128xf32, #tpu.memory_space<vmem>>, vector<1000x128xf32>
    %get3A_23 = arith.constant 0 : index
    %get3A_24 = arith.constant 0 : index
    %get3A_25 = vector.load %arg6[%get3A_23, %get3A_24] : memref<128x128xf32, #tpu.memory_space<vmem>>, vector<128x128xf32>
    %dot_general3A_26 = arith.constant dense<0.000000e+00> : vector<1000x128xf32>
    %dot_general3A_27 = tpu.matmul %get3A_22, %get3A_25, %dot_general3A_26 {dimension_numbers = #tpu.dot_dimension_numbers<[1], [0], [0], [1], [0, 0, 1, 1], [], []>, transpose_lhs_hint = false} : vector<1000x128xf32>, vector<128x128xf32>, vector<1000x128xf32> -> vector<1000x128xf32>
    %add3A_28 = arith.addf %dot_general3A_19, %dot_general3A_27 : vector<1000x128xf32>
    %get3A_29 = arith.constant 0 : index
    %get3A_30 = arith.constant 0 : index
    %get3A_31 = vector.load %arg5[%get3A_29, %get3A_30] : memref<1x128xf32, #tpu.memory_space<vmem>>, vector<1x128xf32>
    %add3A_32 = vector.broadcast %get3A_31 : vector<1x128xf32> to vector<1000x128xf32>
    %add3A_33 = arith.addf %add3A_28, %add3A_32 : vector<1000x128xf32>
    %max3A = arith.constant 0.000000e+00 : f32
    %max3A_34 = vector.broadcast %max3A : f32 to vector<1000x128xf32>
    %max3A_35 = arith.maximumf %add3A_33, %max3A_34 : vector<1000x128xf32>
    %swap3A = arith.constant 0 : index
    %swap3A_36 = arith.constant 0 : index
    %swap3A_37 = vector.load %arg7[%swap3A, %swap3A_36] : memref<1000x128xf32, #tpu.memory_space<vmem>>, vector<1000x128xf32>
    tpu.vector_store %arg7[%swap3A, %swap3A_36], %max3A_35 {strides = array<i32>} : memref<1000x128xf32, #tpu.memory_space<vmem>>, vector<1000x128xf32>,
    return
  }
  func.func @transform_0(%arg0: i32) -> (i32, i32, i32) {
    %c0_i32 = arith.constant 0 : i32
    %c0_i32_0 = arith.constant 0 : i32
    %c0_i32_1 = arith.constant 0 : i32
    return %c0_i32, %arg0, %c0_i32_0 : i32, i32, i32
  }
  func.func @transform_1(%arg0: i32) -> (i32, i32) {
    %c0_i32 = arith.constant 0 : i32
    %c0_i32_0 = arith.constant 0 : i32
    return %arg0, %c0_i32 : i32, i32
  }
  func.func @transform_2(%arg0: i32) -> (i32, i32) {
    %c0_i32 = arith.constant 0 : i32
    %c0_i32_0 = arith.constant 0 : i32
    return %arg0, %c0_i32 : i32, i32
  }
  func.func @transform_3(%arg0: i32) -> (i32, i32) {
    %c0_i32 = arith.constant 0 : i32
    %c0_i32_0 = arith.constant 0 : i32
    %c0_i32_1 = arith.constant 0 : i32
    return %c0_i32, %c0_i32_0 : i32, i32
  }
  func.func @transform_4(%arg0: i32) -> (i32, i32) {
    %c0_i32 = arith.constant 0 : i32
    %c0_i32_0 = arith.constant 0 : i32
    %c0_i32_1 = arith.constant 0 : i32
    return %c0_i32, %c0_i32_0 : i32, i32
  }
  func.func @transform_5(%arg0: i32) -> (i32, i32) {
    %c0_i32 = arith.constant 0 : i32
    %c0_i32_0 = arith.constant 0 : i32
    %c0_i32_1 = arith.constant 0 : i32
    return %c0_i32, %c0_i32_0 : i32, i32
  }
  func.func @transform_6(%arg0: i32) -> (i32, i32) {
    %c0_i32 = arith.constant 0 : i32
    %c0_i32_0 = arith.constant 0 : i32
    return %arg0, %c0_i32 : i32, i32
  }
}

module attributes {stable_mosaic.version = 14 : i64} {
  func.func @_head_body(%arg0: i32, %arg1: memref<2x1000x128xf32, #tpu.memory_space<vmem>>, %arg2: memref<1000x16xf32, #tpu.memory_space<vmem>>, %arg3: memref<1000x128xf32, #tpu.memory_space<vmem>>, %arg4: memref<128x128xf32, #tpu.memory_space<vmem>>, %arg5: memref<1x128xf32, #tpu.memory_space<vmem>>, %arg6: memref<128x128xf32, #tpu.memory_space<vmem>>, %arg7: memref<128x2xf32, #tpu.memory_space<vmem>>, %arg8: memref<1x1xf32, #tpu.memory_space<vmem>>, %arg9: memref<1000x2xf32, #tpu.memory_space<vmem>>) attributes {dimension_semantics = [#tpu.dimension_semantics<arbitrary>], iteration_bounds = array<i64: 5>, scalar_prefetch = 0 : i64, scratch_operands = 0 : i64, tpu.core_type = #tpu.core_type<tc>, window_params = [{transform_indices = @transform_0, window_bounds = array<i64: 2, 1000, 128>}, {transform_indices = @transform_1, window_bounds = array<i64: 1000, 16>}, {transform_indices = @transform_2, window_bounds = array<i64: 1000, 128>}, {pipeline_mode = #tpu.pipeline_mode<synchronous>, transform_indices = @transform_3, window_bounds = array<i64: 128, 128>}, {pipeline_mode = #tpu.pipeline_mode<synchronous>, transform_indices = @transform_4, window_bounds = array<i64: 1, 128>}, {pipeline_mode = #tpu.pipeline_mode<synchronous>, transform_indices = @transform_5, window_bounds = array<i64: 128, 128>}, {pipeline_mode = #tpu.pipeline_mode<synchronous>, transform_indices = @transform_6, window_bounds = array<i64: 128, 2>}, {pipeline_mode = #tpu.pipeline_mode<synchronous>, transform_indices = @transform_7, window_bounds = array<i64: 1, 1>}, {transform_indices = @transform_8, window_bounds = array<i64: 1000, 2>}]} {
    %get3A = arith.constant 0 : index
    %get3A_0 = arith.constant 0 : index
    %get3A_1 = arith.constant 0 : index
    %get3A_2 = vector.load %arg1[%get3A, %get3A_0, %get3A_1] : memref<2x1000x128xf32, #tpu.memory_space<vmem>>, vector<1x1000x128xf32>
    %get3A_3 = vector.shape_cast %get3A_2 : vector<1x1000x128xf32> to vector<1000x128xf32>
    %get3A_4 = arith.constant 1 : index
    %get3A_5 = arith.constant 0 : index
    %get3A_6 = arith.constant 0 : index
    %get3A_7 = vector.load %arg1[%get3A_4, %get3A_5, %get3A_6] : memref<2x1000x128xf32, #tpu.memory_space<vmem>>, vector<1x1000x128xf32>
    %get3A_8 = vector.shape_cast %get3A_7 : vector<1x1000x128xf32> to vector<1000x128xf32>
    %add3A = arith.addf %get3A_3, %get3A_8 : vector<1000x128xf32>
    %get3A_9 = arith.constant 0 : index
    %get3A_10 = arith.constant 0 : index
    %get3A_11 = vector.load %arg2[%get3A_9, %get3A_10] : memref<1000x16xf32, #tpu.memory_space<vmem>>, vector<1000x16xf32>
    %slice3A = vector.extract_strided_slice %get3A_11 {offsets = [0, 0], sizes = [1000, 1], strides = [1, 1]} : vector<1000x16xf32> to vector<1000x1xf32>
    %broadcast_in_dim3A = vector.shape_cast %slice3A : vector<1000x1xf32> to vector<1000x1xf32>
    %broadcast_in_dim3A_12 = vector.broadcast %broadcast_in_dim3A : vector<1000x1xf32> to vector<1000x64xf32>
    %slice3A_13 = vector.extract_strided_slice %get3A_11 {offsets = [0, 8], sizes = [1000, 1], strides = [1, 1]} : vector<1000x16xf32> to vector<1000x1xf32>
    %broadcast_in_dim3A_14 = vector.shape_cast %slice3A_13 : vector<1000x1xf32> to vector<1000x1xf32>
    %broadcast_in_dim3A_15 = vector.broadcast %broadcast_in_dim3A_14 : vector<1000x1xf32> to vector<1000x64xf32>
    %concatenate3A = tpu.concatenate %broadcast_in_dim3A_12, %broadcast_in_dim3A_15 in 1 : vector<1000x64xf32>, vector<1000x64xf32> -> vector<1000x128xf32>
    %div3A = arith.divf %add3A, %concatenate3A : vector<1000x128xf32>
    %get3A_16 = arith.constant 0 : index
    %get3A_17 = arith.constant 0 : index
    %get3A_18 = vector.load %arg4[%get3A_16, %get3A_17] : memref<128x128xf32, #tpu.memory_space<vmem>>, vector<128x128xf32>
    %dot_general3A = arith.constant dense<0.000000e+00> : vector<1000x128xf32>
    %dot_general3A_19 = tpu.matmul %div3A, %get3A_18, %dot_general3A {dimension_numbers = #tpu.dot_dimension_numbers<[1], [0], [0], [1], [0, 0, 1, 1], [], []>, transpose_lhs_hint = false} : vector<1000x128xf32>, vector<128x128xf32>, vector<1000x128xf32> -> vector<1000x128xf32>
    %get3A_20 = arith.constant 0 : index
    %get3A_21 = arith.constant 0 : index
    %get3A_22 = vector.load %arg3[%get3A_20, %get3A_21] : memref<1000x128xf32, #tpu.memory_space<vmem>>, vector<1000x128xf32>
    %get3A_23 = arith.constant 0 : index
    %get3A_24 = arith.constant 0 : index
    %get3A_25 = vector.load %arg6[%get3A_23, %get3A_24] : memref<128x128xf32, #tpu.memory_space<vmem>>, vector<128x128xf32>
    %dot_general3A_26 = arith.constant dense<0.000000e+00> : vector<1000x128xf32>
    %dot_general3A_27 = tpu.matmul %get3A_22, %get3A_25, %dot_general3A_26 {dimension_numbers = #tpu.dot_dimension_numbers<[1], [0], [0], [1], [0, 0, 1, 1], [], []>, transpose_lhs_hint = false} : vector<1000x128xf32>, vector<128x128xf32>, vector<1000x128xf32> -> vector<1000x128xf32>
    %add3A_28 = arith.addf %dot_general3A_19, %dot_general3A_27 : vector<1000x128xf32>
    %get3A_29 = arith.constant 0 : index
    %get3A_30 = arith.constant 0 : index
    %get3A_31 = vector.load %arg5[%get3A_29, %get3A_30] : memref<1x128xf32, #tpu.memory_space<vmem>>, vector<1x128xf32>
    %add3A_32 = vector.broadcast %get3A_31 : vector<1x128xf32> to vector<1000x128xf32>
    %add3A_33 = arith.addf %add3A_28, %add3A_32 : vector<1000x128xf32>
    %max3A = arith.constant 0.000000e+00 : f32
    %max3A_34 = vector.broadcast %max3A : f32 to vector<1000x128xf32>
    %max3A_35 = arith.maximumf %add3A_33, %max3A_34 : vector<1000x128xf32>
    %get3A_36 = arith.constant 0 : index
    %get3A_37 = arith.constant 0 : index
    %get3A_38 = vector.load %arg7[%get3A_36, %get3A_37] : memref<128x2xf32, #tpu.memory_space<vmem>>, vector<128x2xf32>
    %dot_general3A_39 = arith.constant dense<0.000000e+00> : vector<1000x2xf32>
    %dot_general3A_40 = tpu.matmul %max3A_35, %get3A_38, %dot_general3A_39 {dimension_numbers = #tpu.dot_dimension_numbers<[1], [0], [0], [1], [0, 0, 1, 1], [], []>, transpose_lhs_hint = false} : vector<1000x128xf32>, vector<128x2xf32>, vector<1000x2xf32> -> vector<1000x2xf32>
    %get3A_41 = arith.constant 0 : index
    %get3A_42 = arith.constant 0 : index
    %get3A_43 = vector.load %arg8[%get3A_41, %get3A_42] : memref<1x1xf32, #tpu.memory_space<vmem>>, vector<1x1xf32>
    %get3A_44 = vector.extract %get3A_43[0, 0] : f32 from vector<1x1xf32>
    %add3A_45 = vector.broadcast %get3A_44 : f32 to vector<1000x2xf32>
    %add3A_46 = arith.addf %dot_general3A_40, %add3A_45 : vector<1000x2xf32>
    %swap3A = arith.constant 0 : index
    %swap3A_47 = arith.constant 0 : index
    %swap3A_48 = vector.load %arg9[%swap3A, %swap3A_47] : memref<1000x2xf32, #tpu.memory_space<vmem>>, vector<1000x2xf32>
    tpu.vector_store %arg9[%swap3A, %swap3A_47], %add3A_46 {strides = array<i32>} : memref<1000x2xf32, #tpu.memory_space<vmem>>, vector<1000x2xf32>,
    return
  }
  func.func @transform_0(%arg0: i32) -> (i32, i32, i32) {
    %c0_i32 = arith.constant 0 : i32
    %c0_i32_0 = arith.constant 0 : i32
    %c0_i32_1 = arith.constant 0 : i32
    return %c0_i32, %arg0, %c0_i32_0 : i32, i32, i32
  }
  func.func @transform_1(%arg0: i32) -> (i32, i32) {
    %c0_i32 = arith.constant 0 : i32
    %c0_i32_0 = arith.constant 0 : i32
    return %arg0, %c0_i32 : i32, i32
  }
  func.func @transform_2(%arg0: i32) -> (i32, i32) {
    %c0_i32 = arith.constant 0 : i32
    %c0_i32_0 = arith.constant 0 : i32
    return %arg0, %c0_i32 : i32, i32
  }
  func.func @transform_3(%arg0: i32) -> (i32, i32) {
    %c0_i32 = arith.constant 0 : i32
    %c0_i32_0 = arith.constant 0 : i32
    %c0_i32_1 = arith.constant 0 : i32
    return %c0_i32, %c0_i32_0 : i32, i32
  }
  func.func @transform_4(%arg0: i32) -> (i32, i32) {
    %c0_i32 = arith.constant 0 : i32
    %c0_i32_0 = arith.constant 0 : i32
    %c0_i32_1 = arith.constant 0 : i32
    return %c0_i32, %c0_i32_0 : i32, i32
  }
  func.func @transform_5(%arg0: i32) -> (i32, i32) {
    %c0_i32 = arith.constant 0 : i32
    %c0_i32_0 = arith.constant 0 : i32
    %c0_i32_1 = arith.constant 0 : i32
    return %c0_i32, %c0_i32_0 : i32, i32
  }
  func.func @transform_6(%arg0: i32) -> (i32, i32) {
    %c0_i32 = arith.constant 0 : i32
    %c0_i32_0 = arith.constant 0 : i32
    %c0_i32_1 = arith.constant 0 : i32
    return %c0_i32, %c0_i32_0 : i32, i32
  }
  func.func @transform_7(%arg0: i32) -> (i32, i32) {
    %c0_i32 = arith.constant 0 : i32
    %c0_i32_0 = arith.constant 0 : i32
    %c0_i32_1 = arith.constant 0 : i32
    return %c0_i32, %c0_i32_0 : i32, i32
  }
  func.func @transform_8(%arg0: i32) -> (i32, i32) {
    %c0_i32 = arith.constant 0 : i32
    %c0_i32_0 = arith.constant 0 : i32
    return %arg0, %c0_i32 : i32, i32
  }
}

</mosaic_0001>

<sc_bundles>
// kernel: kernel.12.cloned.1.call-start
scs
__scs_entry_jumppad:
0x0: {  	(pc) =	sbr.rel $0x88, $3  }
0x1: {  	(tag) =	ssettag $0x0;
	lr =	simm.s32 $0x1  }
0x2: {  	[smem:$0x3F95] =	sst lr;
	_ =	strace $0xD0000000  }
0x3: {  	_ = 	snop  }
0x4: {  	_ = 	snop  }
0x5: {  	_ = 	snop  }
0x6: {  	_ = 	snop  }
0x7: {  	_ = 	snop  }
__scs_overlays_trampoline_lowered:
0x8: {  	[smem:$0x3FA4] =	sst s0  }
0x9: {  	[smem:$0x3FA5] =	sst s1  }
0xa: {  	[smem:$0x3FA6] =	sst s2  }
0xb: {  	[smem:$0x3FA7] =	sst s3  }
0xc: {  	[smem:$0x3FA8] =	sst s4  }
0xd: {  	[smem:$0x3FA9] =	sst s5  }
0xe: {  	[smem:$0x3FAA] =	sst s6  }
0xf: {  	[smem:$0x3FAB] =	sst s7  }
0x10: {  	[smem:$0x3FAC] =	sst s8  }
0x11: {  	[smem:$0x3FAD] =	sst s9;
	s0 =	simm.s32 @!p0 $0x0  }
0x12: {  	s1 =	sld [smem:$0x3F93];
	s0 =	simm.s32 @p0 $0x1  }
0x13: {  	[smem:$0x3FAE] =	sst s0;
	s0 =	simm.s32 @!p1 $0x0  }
0x14: {  	s2 =	sld [smem:$0x3F92];
	s0 =	simm.s32 @p1 $0x1  }
0x15: {  	[smem:$0x3FAF] =	sst s0;
	s0 =	simm.s32 @!p2 $0x0  }
0x16: {  	s3 =	sld [smem:$0x3FDB];
	s0 =	simm.s32 @p2 $0x1  }
0x17: {  	s4 =	simm.s32 $0x1BF5;
	[smem:$0x3FB1] =	sst s0  }
0x18: {  	s0 =	sld [smem:$0x3F94];
	_ =	swait.ge [sflag:s4], $0x0  }
0x19: {  	s7 =	sld [smem:$0x3F95]  }
0x1a: {  	s8 =	sadd.s32 $0xFFFFE003, lr  }
0x1b: {  	s9 =	sadd.s32 $0xFFFFFEF7, lr;
	s5 =	simm.s32 $0xFFFFFFFF;
	p2 =	slt.u32 s8, $0xFFFFF086  }
0x1c: {  	p1 =	slt.u32 s9, $0xF7A;
	s5 =	simm.s32 @!p2 $0x0  }
0x1d: {  	s5 =	simm.s32 @p1 $0x1;
	p0 =	seq.s32 s7, s2  }
0x1e: {  	s7 =	smul.u32 @!p0 $0xF7A, s2;
	p2 =	seq.s32 @!p0 s5, $0x0  }
0x1f: {  	s9 =	smul.u32 $0xF7A, s1;
	s8 =	simm.s32 @!p0 $0x1BF5;
	p2 =	por !p2, p0  }
0x20: {  	[sflag:s8] =	ssyncset.s32 @!p0 $0xFFFFF086;
	s6 =	sadd.s32 @!p0 s3, s7;
	s7 =	simm.s32 @!p0 $0x108  }
0x21: {  	s3 =	sadd.s32 s3, s9;
	s6 =	sadd.s32 @!p0 $0x88, s6;
	s7 =	simm.s32 @p2 $0x1082  }
0x22: {  	[simem:s7], [sflag:s8] =	dma.local @!p0 [hbm:s6], $0xF7A  }
0x23: {  	s9 =	sor.u32 $0xD0000000, s2;
	s6 =	simm.s32 $0x108;
	_ =	swait.ge @!p0 [sflag:s8], $0x0  }
0x24: {  	s3 =	sadd.s32 $0x88, s3;
	s6 =	simm.s32 @!p1 $0x1082;
	[sflag:s4] =	ssyncset.s32 $0xFFFFF086  }
0x25: {  	[simem:s6], [sflag:s4] =	dma.local [hbm:s3], $0xF7A  }
0x26: {  	[smem:$0x3F95] =	sst s1;
	(tag) =	ssettag s2;
	_ =	strace s9  }
0x27: {  	s1 =	sld [smem:$0x3FA5]  }
0x28: {  	s2 =	sld [smem:$0x3FA6]  }
0x29: {  	s4 =	sld [smem:$0x3FA8]  }
0x2a: {  	p0 =	seq.s32 s5, $0x0;
	s5 =	sld [smem:$0x3FA9]  }
0x2b: {  	s6 =	sld [smem:$0x3FAA]  }
0x2c: {  	s7 =	sld [smem:$0x3FAB]  }
0x2d: {  	s3 =	simm.s32 $0x108;
	s8 =	sld [smem:$0x3FAC]  }
0x2e: {  	s3 =	simm.s32 @!p0 $0x1082;
	s9 =	sld [smem:$0x3FAD]  }
0x2f: {  	lr =	sadd.s32 s0, s3;
	s0 =	sld [smem:$0x3FA4]  }
0x30: {  	s3 =	sld [smem:$0x3FA7]  }
0x31: {  	[smem:$0x3FB0] =	sst s10  }
0x32: {  	s10 =	sld [smem:$0x3FAE];
	_ =	sdelay $0x3  }
0x33: {  	p0 =	seq.s32 s10, $0x1;
	s10 =	sld [smem:$0x3FB0];
	_ =	sdelay $0x3  }
0x34: {  	[smem:$0x3FB0] =	sst s10  }
0x35: {  	s10 =	sld [smem:$0x3FAF];
	_ =	sdelay $0x3  }
0x36: {  	p1 =	seq.s32 s10, $0x1;
	s10 =	sld [smem:$0x3FB0];
	_ =	sdelay $0x3  }
0x37: {  	[smem:$0x3FB0] =	sst s10  }
0x38: {  	s10 =	sld [smem:$0x3FB1]  }
0x39: {  	_ = 	snop;
	(pc) =	sbr.ind lr, $3  }
0x3a: {  	_ = 	snop  }
0x3b: {  	_ = 	snop  }
0x3c: {  	p2 =	seq.s32 s10, $0x1;
	s10 =	sld [smem:$0x3FB0]  }
0x3d: {  	_ =	shalt  }
0x3e: {  	_ =	shalt  }
0x3f: {  	_ =	shalt  }
0x40: {  	_ =	shalt  }
0x41: {  	_ =	shalt  }
0x42: {  	_ =	shalt  }
0x43: {  	_ =	shalt  }
0x44: {  	_ =	shalt  }
0x45: {  	_ =	shalt  }
0x46: {  	_ =	shalt  }
0x47: {  	_ =	shalt  }
0x48: {  	_ =	shalt  }
0x49: {  	_ =	shalt  }
0x4a: {  	_ =	shalt  }
0x4b: {  	_ =	shalt  }
0x4c: {  	_ =	shalt  }
0x4d: {  	_ =	shalt  }
0x4e: {  	_ =	shalt  }
0x4f: {  	_ =	shalt  }
0x50: {  	_ =	shalt  }
0x51: {  	_ =	shalt  }
0x52: {  	_ =	shalt  }
0x53: {  	_ =	shalt  }
0x54: {  	_ =	shalt  }
0x55: {  	_ =	shalt  }
0x56: {  	_ =	shalt  }
0x57: {  	_ =	shalt  }
0x58: {  	_ =	shalt  }
0x59: {  	_ =	shalt  }
0x5a: {  	_ =	shalt  }
0x5b: {  	_ =	shalt  }
0x5c: {  	_ =	shalt  }
0x5d: {  	_ =	shalt  }
0x5e: {  	_ =	shalt  }
0x5f: {  	_ =	shalt  }
0x60: {  	_ =	shalt  }
0x61: {  	_ =	shalt  }
0x62: {  	_ =	shalt  }
0x63: {  	_ =	shalt  }
0x64: {  	_ =	shalt  }
0x65: {  	_ =	shalt  }
0x66: {  	_ =	shalt  }
0x67: {  	_ =	shalt  }
0x68: {  	_ =	shalt  }
0x69: {  	_ =	shalt  }
0x6a: {  	_ =	shalt  }
0x6b: {  	_ =	shalt  }
0x6c: {  	_ =	shalt  }
0x6d: {  	_ =	shalt  }
0x6e: {  	_ =	shalt  }
0x6f: {  	_ =	shalt  }
0x70: {  	_ =	shalt  }
0x71: {  	_ =	shalt  }
0x72: {  	_ =	shalt  }
0x73: {  	_ =	shalt  }
0x74: {  	_ =	shalt  }
0x75: {  	_ =	shalt  }
0x76: {  	_ =	shalt  }
0x77: {  	_ =	shalt  }
0x78: {  	_ =	shalt  }
0x79: {  	_ =	shalt  }
0x7a: {  	_ =	shalt  }
0x7b: {  	_ =	shalt  }
0x7c: {  	_ =	shalt  }
0x7d: {  	_ =	shalt  }
0x7e: {  	_ =	shalt  }
0x7f: {  	_ =	shalt  }
0x80: {  	_ =	shalt  }
0x81: {  	_ =	shalt  }
0x82: {  	_ =	shalt  }
0x83: {  	_ =	shalt  }
0x84: {  	_ =	shalt  }
0x85: {  	_ =	shalt  }
0x86: {  	_ =	shalt  }
0x87: {  	_ =	shalt  }
.Lfunc_end0:
.L_simem_size_0:
called_computation.1_lowered:
.L_overlay_start_0:
0x88: {  	s2 =	sld [smem:$0x3FD9]  }
0x89: {  	s3 =	sld [smem:$0x3FFE];
	_ =	sdelay $0x1  }
0x8a: {  	s1 =	srdreg.scid  }
0x8b: {  	s0 =	sand.u32 $0x1, s1  }
0x8c: {  	s17 =	sshll.u32 s0, $0xA;
	s2 =	sadd.s32 s3, s2  }
0x8d: {  	s2 =	sadd.s32 s2, s17  }
0x8e: {  	[smem:$0x3FBC] =	sst s2  }
0x8f: {  	_ = 	snop  }
0x90: {  	(tm) =	ssettm $0x1  }
0x91: {  	s18 =	sld [smem:$0x3FFB];
	_ =	sdelay $0x3  }
0x92: {  	_ =	strace s18  }
0x93: {  	s2 =	sld [smem:$0x3FFC];
	_ =	sdelay $0x3  }
0x94: {  	_ =	strace s2  }
0x95: {  	s2 =	sld [smem:$0x3FFD];
	_ =	sdelay $0x3  }
0x96: {  	_ =	strace s2  }
0x97: {  	_ =	strace $0x8FFFFFFF  }
0x98: {  	s19 =	sld [smem:$0x3FDB];
	_ =	sdelay $0x1  }
0x99: {  	s20 =	simm.s32 $_scs_section_size  }
0x9a: {  	s4 =	simm.s32 $_size__tile_overlayer_lowered;
	s5 =	simm.s32 $_tile_overlayer_lowered  }
0x9b: {  	s6 =	simm.s32 $0x1BFF;
	s21 =	sshll.u32 s5, $0x1;
	s3 =	sadd.s32 s20, s19  }
0x9c: {  	s22 =	simm.s32 $0x0;
	s4 =	sshll.u32 s4, $0x1;
	s5 =	sadd.s32 s21, s3  }
0x9d: {  	[timem:s22], [sflag:s6] =	dma.local [hbm:s5], s4  }
0x9e: {  	_ =	swait.ge [sflag:s6], s4  }
0x9f: {  	s4 =	ssub.s32 $0x0, s4;
	[sflag:s6] =	ssyncset.done $0x0  }
0xa0: {  	[sflag:s6] =	ssyncadd.s32 s4;
	_ =	sdelay $0x1  }
0xa1: {  	s23 =	simm.s32 $0x1B8B  }
0xa2: {  	_ =	swait.ge [sflag:s23], $0x1  }
0xa3: {  	[sflag:s23] =	ssyncset.done $0x0  }
0xa4: {  	[sflag:s23] =	ssyncadd.s32 $0xFFFFFFFF  }
0xa5: {  	s4 =	sld [smem:$0x0]  }
0xa6: {  	s5 =	sand.u32 $0xFFFFFFFE, s1  }
0xa7: {  	p0 =	sne.s32 s1, s5  }
0xa8: {  	s5 =	sshll.u32 @p0 s5, $0xE  }
0xa9: {  	s5 =	sadd.s32 @p0 $0x11B8D, s5;
	s6 =	sshll.u32 @p0 s4, $0x11  }
0xaa: {  	s5 =	sor.u32 @p0 s6, s5  }
0xab: {  	[sflag:s5] =	ssyncadd.remote.s32 @p0 $0x1;
	_ =	sdelay $0x1  }
0xac: {  	s5 =	simm.s32 @p0 $0x1B8D  }
0xad: {  	_ =	swait.eq @p0 [sflag:s5], $0x1  }
0xae: {  	[sflag:s5] =	ssyncadd.s32 @p0 $0xFFFFFFFF  }
0xaf: {  	s6 =	sshll.u32 @!p0 s1, $0xE  }
0xb0: {  	s6 =	sor.u32 @!p0 $0x4000, s6;
	s5 =	simm.s32 @!p0 $0x1B8D  }
0xb1: {  	s4 =	sshll.u32 @!p0 s4, $0x11;
	s6 =	sadd.s32 @!p0 $0x11B8D, s6;
	_ =	swait.eq @!p0 [sflag:s5], $0x1  }
0xb2: {  	s4 =	sor.u32 @!p0 s4, s6;
	[sflag:s5] =	ssyncadd.s32 @!p0 $0xFFFFFFFF  }
0xb3: {  	s25 =	simm.s32 $0x1B8E;
	s24 =	sld [smem:$0x3FFE];
	[sflag:s4] =	ssyncadd.remote.s32 @!p0 $0x1  }
0xb4: {  	s26 =	simm.s32 $execute0_lowered;
	[smem:$0x3FD2] =	sst s25  }
0xb5: {  	s5 =	sshll.u32 s26, $0x1;
	_ =	strace $0x80000049;
	[dreg:$0x1] =	wrdreg $0xFFFFFFFF  }
0xb6: {  	s28 =	simm.s32 $_size_execute0_lowered;
	s3 =	sadd.s32 s3, s5;
	[dreg:$0x0] =	wrdreg $0x0  }
0xb7: {  	s5 =	sshll.u32 s28, $0x1;
	[dreg:$0x2] =	wrdreg s3  }
0xb8: {  	[dreg:$0x3] =	wrdreg s5  }
0xb9: {  	[dreg:$0x4] =	wrdreg $0xC0  }
0xba: {  	_ =	task [dreg:s22], $0x5FFFF  }
0xbb: {  	[dreg:$0x1] =	wrdreg $0xFFFFFFFF  }
0xbc: {  	[dreg:$0x0] =	wrdreg $0x60  }
0xbd: {  	[dreg:$0x2] =	wrdreg s24  }
0xbe: {  	[dreg:$0x3] =	wrdreg $0xAF000  }
0xbf: {  	[dreg:$0x4] =	wrdreg $0x14B400  }
0xc0: {  	[dreg:$0x5] =	wrdreg $0xA  }
0xc1: {  	_ =	task.clear_ibuf [dreg:s22], $0x6FFFF;
	_ =	strace $0x90000049  }
0xc2: {  	s29 =	simm.s32 $0xA;
	_ =	strace $0x8000004B  }
0xc3: {  	_ =	swait.ge [sflag:s29], $0x1  }
0xc4: {  	[sflag:s29] =	ssyncadd.s32 $0xFFFFFFFF  }
0xc5: {  	_ =	strace $0x9000004B  }
0xc6: {  	_ =	sfence  }
0xc7: {  	s30 =	sld [smem:$0x0];
	_ =	sdelay $0x2  }
0xc8: {  	s31 =	sshll.u32 s1, $0xD;
	s1 =	sshrl.u32 s1, $0x2  }
0xc9: {  	s4 =	sand.u32 $0x4000, s31;
	s1 =	sadd.s32 s1, s30  }
0xca: {  	s0 =	sor.u32 s4, s0;
	s1 =	sshll.u32 s1, $0x11  }
0xcb: {  	s0 =	sor.u32 s1, s0  }
0xcc: {  	s0 =	sadd.s32 $0x8F2B, s0  }
0xcd: {  	[sflag:s0] =	ssyncadd.remote.s32 $0x1  }
0xce: {  	_ =	sfence.sel $0xFFFF  }
0xcf: {  	[dreg:$0x0] =	wrdreg $0xFFFFFFFF;
	(pc) =	sbr.abs _section_cstart, $3  }
0xd0: {  	[dreg:$0x1] =	wrdreg $0xFFFFFFFF  }
0xd1: {  	_ =	task.clear_ibuf [dreg:s22], $0x2FFFF;
	_ =	strace $0x9FFFFFFF  }
0xd2: {  	(tm) =	ssettm $0x7FFFFFFF  }
0xd3: {  	_ =	shalt  }
tec
execute0_lowered:
.L_overlay_start_1:
0x0: {  	(tag) =	ssettag $0x1  }
0x1: {  	s6 =	rddreg [dreg:$0x0];
	s1 =	srdreg.scid  }
0x2: {  	s0 =	stileid.u32;
	s2 =	rddreg [dreg:$0x1]  }
0x3: {  	s3 =	rddreg [dreg:$0x2];
	s4 =	simm.s32 $0x0;
	s16 =	simm.s32 $0x2780  }
0x4: {  	s18 =	simm.s32 $0x80;
	s19 =	simm.s32 $0x4F00;
	s20 =	simm.s32 $0x6F00  }
0x5: {  	s21 =	simm.s32 $0x1;
	s22 =	simm.s32 $0x8F00;
	s28 =	simm.s32 $0x4D80  }
0x6: {  	s29 =	simm.s32 $0x4E00;
	s30 =	simm.s32 $0x0;
	s25 =	sand.u32 $0x1, s1  }
0x7: {  	s9 =	smul.u32 $0x9C40, s0;
	s7 =	sshll.u32 s0, $0x1;
	[smem:$0x7FF] =	sst s4  }
0x8: {  	s26 =	sshll.u32 s0, $0x6;
	p0 =	slt.u32 s0, $0xE;
	s5 =	smul.u32 $0x9C400, s25  }
0x9: {  	s7 =	sor.u32 s25, s7;
	_ =	strace $0x8000004A;
	s12 =	ssub.s32 $0x2, s25  }
0xa: {  	p1 =	sne.s32 s25, $0x0;
	s25 =	simm.s32 $0x2680;
	s10 =	smul.u32 $0x4E, s7  }
0xb: {  	s7 =	smax.u32 s7, $0x1C;
	s23 =	sshrl.u32 s9, $0x3;
	s24 =	sshrl.u32 s12, $0x1  }
0xc: {  	s15 =	sadd.s32 s9, s2;
	s5 =	sadd.s32 s9, s5;
	s13 =	sadd.s32 s23, s6  }
0xd: {  	s14 =	ssub.s32 s12, s24;
	s9 =	sadd.s32 s9, s3;
	s23 =	simm.s32 $0x2  }
0xe: {  	s24 =	simm.s32 $0x3;
	s8 =	sshrl.u32 s5, $0x3;
	s5 =	sadd.s32 $0x30000, s6  }
0xf: {  	s7 =	sadd.s32 s10, s7;
	s10 =	sadd.s32 $0x1C600, s13;
	s12 =	sadd.s32 $0x58600, s13  }
0x10: {  	s13 =	smax.u32 s14, $0x1;
	s14 =	sshrl.u32 s15, $0x3;
	s15 =	simm.s32 $0x4  }
0x11: {  	s17 =	sshrl.u32 s9, $0x3;
	s11 =	sadd.s32 s8, s6;
	s7 =	sshll.u32 s7, $0x4  }
0x12: {  	s31 =	sadd.s32 s6, s7;
	s6 =	sor.u32 $0x1C04, s26;
	s11 =	sadd.s32 $0x31400, s11  }
0x13: {  	s26 =	simm.s32 $0x4D00;
	s7 =	sadd.s32 $0x3840, s31;
	s8 =	sadd.s32 $0xD480, s31  }
.LBB2_1:
0x14: {  	[spmem:s14], [sflag:s6] =	dma.local [hbm:s5], $0x1388  }
0x15: {  	_ =	swait.ge [sflag:s15], $0x1388  }
0x16: {  	[sflag:s15] =	ssyncset.done $0x0  }
0x17: {  	[sflag:s15] =	ssyncadd.s32 $0xFFFFEC78  }
0x18: {  	[tilespmem:s4], [sflag:$0x4] =	stream.linear.gather [hbm4b:s7+s4], $0x2780, $0x38;
	[tilespmem:$0x1E780] =	vst v63  }
0x19: {  	_ =	swait.ge [sflag:s15], $0x2780  }
0x1a: {  	[sflag:s15] =	ssyncset.done $0x0  }
0x1b: {  	[sflag:s15] =	ssyncadd.s32 $0xFFFFD880  }
0x1c: {  	[tilespmem:s16], [sflag:$0x4] =	stream.linear.gather [hbm4b:s8+s4], $0x2780, $0x38;
	[tilespmem:$0x1E780] =	vst v63  }
0x1d: {  	_ =	swait.ge [sflag:s15], $0x2780  }
0x1e: {  	[sflag:s15] =	ssyncset.done $0x0  }
0x1f: {  	[sflag:s15] =	ssyncadd.s32 $0xFFFFD880  }
0x20: {  	[spmem:s17], [sflag:s6] =	dma.local [hbm:s10], $0x1388  }
0x21: {  	_ =	swait.ge [sflag:s15], $0x1388  }
0x22: {  	[sflag:s15] =	ssyncset.done $0x0  }
0x23: {  	[sflag:s15] =	ssyncadd.s32 $0xFFFFEC78  }
0x24: {  	[bflag:$0x0] =	sbarrier.arrive $0xFFFF  }
0x25: {  	[tilespmem:s19], [sflag:$0x1] =	stream.indirect.gather [spmem:s3], $0x40, s4, s18, $0xb8;
	[tilespmem:$0x1E780] =	vst v63  }
0x26: {  	_ = 	snop  }
0x27: {  	[tilespmem:s20], [sflag:$0x2] =	stream.indirect.gather [spmem:s3], $0x40, s18, s18, $0xb8;
	[tilespmem:$0x1E780] =	vst v63  }
0x28: {  	_ =	swait.ge [sflag:s21], $0x2000  }
0x29: {  	[sflag:s21] =	ssyncset.done $0x0  }
0x2a: {  	s31 =	simm.s32 $0x100;
	[sflag:s21] =	ssyncadd.s32 $0xFFFFE000  }
0x2b: {  	[tilespmem:s22], [sflag:$0x3] =	stream.indirect.gather [spmem:s3], $0x40, s31, s18, $0xb8;
	[tilespmem:$0x1E780] =	vst v63  }
0x2c: {  	s31 =	simm.s32 $0x2780  }
0x2d: {  	[spmem:s2] =	stream.indirect.scatter.add.f32 [tilespmem:s19], [sflag:$0x4], $0x40, s31, s18, $0xb8;
	[tilespmem:$0x1E780] =	vst v63  }
0x2e: {  	_ =	swait.ge [sflag:s15], $0x2000  }
0x2f: {  	[sflag:s15] =	ssyncset.done $0x0  }
0x30: {  	[sflag:s15] =	ssyncadd.s32 $0xFFFFE000  }
0x31: {  	_ =	swait.ge [sflag:s23], $0x2000  }
0x32: {  	[sflag:s23] =	ssyncset.done $0x0  }
0x33: {  	s31 =	simm.s32 $0x180;
	[sflag:s23] =	ssyncadd.s32 $0xFFFFE000  }
0x34: {  	[tilespmem:s19], [sflag:$0x1] =	stream.indirect.gather [spmem:s3], $0x40, s31, s18, $0xb8;
	[tilespmem:$0x1E780] =	vst v63  }
0x35: {  	s31 =	simm.s32 $0x2800  }
0x36: {  	[spmem:s2] =	stream.indirect.scatter.add.f32 [tilespmem:s20], [sflag:$0x4], $0x40, s31, s18, $0xb8;
	[tilespmem:$0x1E780] =	vst v63  }
0x37: {  	_ =	swait.ge [sflag:s15], $0x2000  }
0x38: {  	[sflag:s15] =	ssyncset.done $0x0  }
0x39: {  	[sflag:s15] =	ssyncadd.s32 $0xFFFFE000  }
0x3a: {  	_ =	swait.ge [sflag:s24], $0x2000  }
0x3b: {  	[sflag:s24] =	ssyncset.done $0x0  }
0x3c: {  	s31 =	simm.s32 $0x200;
	[sflag:s24] =	ssyncadd.s32 $0xFFFFE000  }
0x3d: {  	[tilespmem:s20], [sflag:$0x2] =	stream.indirect.gather [spmem:s3], $0x40, s31, s18, $0xb8;
	[tilespmem:$0x1E780] =	vst v63  }
0x3e: {  	s31 =	simm.s32 $0x2880  }
0x3f: {  	[spmem:s2] =	stream.indirect.scatter.add.f32 [tilespmem:s22], [sflag:$0x4], $0x40, s31, s18, $0xb8;
	[tilespmem:$0x1E780] =	vst v63  }
0x40: {  	_ =	swait.ge [sflag:s15], $0x2000  }
0x41: {  	s31 =	simm.s32 $0x600;
	[sflag:s15] =	ssyncset.done $0x0  }
.LBB2_2:
0x42: {  	p2 =	sne.s32 s31, $0x9000  }
0x43: {  	[sflag:s15] =	ssyncadd.s32 $0xFFFFE000;
	s1 =	smov.u32 s31;
	s31 =	sadd.s32 $0x600, s31  }
0x44: {  	_ = 	snop  }
0x45: {  	_ =	swait.ge [sflag:s21], $0x2000  }
0x46: {  	s1 =	sshra.s32 s1, $0x2;
	[sflag:s21] =	ssyncset.done $0x0  }
0x47: {  	s0 =	sadd.s32 $0x100, s1;
	[sflag:s21] =	ssyncadd.s32 $0xFFFFE000  }
0x48: {  	[tilespmem:s22], [sflag:$0x3] =	stream.indirect.gather [spmem:s3], $0x40, s0, s18, $0xb8;
	[tilespmem:$0x1E780] =	vst v63  }
0x49: {  	s0 =	sadd.s32 $0x2780, s1  }
0x4a: {  	[spmem:s2] =	stream.indirect.scatter.add.f32 [tilespmem:s19], [sflag:$0x4], $0x40, s0, s18, $0xb8;
	[tilespmem:$0x1E780] =	vst v63  }
0x4b: {  	_ =	swait.ge [sflag:s15], $0x2000  }
0x4c: {  	[sflag:s15] =	ssyncset.done $0x0  }
0x4d: {  	[sflag:s15] =	ssyncadd.s32 $0xFFFFE000  }
0x4e: {  	_ =	swait.ge [sflag:s23], $0x2000  }
0x4f: {  	[sflag:s23] =	ssyncset.done $0x0  }
0x50: {  	s0 =	sadd.s32 $0x180, s1;
	[sflag:s23] =	ssyncadd.s32 $0xFFFFE000  }
0x51: {  	[tilespmem:s19], [sflag:$0x1] =	stream.indirect.gather [spmem:s3], $0x40, s0, s18, $0xb8;
	[tilespmem:$0x1E780] =	vst v63  }
0x52: {  	s0 =	sadd.s32 $0x2800, s1  }
0x53: {  	[spmem:s2] =	stream.indirect.scatter.add.f32 [tilespmem:s20], [sflag:$0x4], $0x40, s0, s18, $0xb8;
	[tilespmem:$0x1E780] =	vst v63  }
0x54: {  	_ =	swait.ge [sflag:s15], $0x2000  }
0x55: {  	[sflag:s15] =	ssyncset.done $0x0  }
0x56: {  	[sflag:s15] =	ssyncadd.s32 $0xFFFFE000  }
0x57: {  	_ =	swait.ge [sflag:s24], $0x2000  }
0x58: {  	[sflag:s24] =	ssyncset.done $0x0  }
0x59: {  	s0 =	sadd.s32 $0x200, s1;
	[sflag:s24] =	ssyncadd.s32 $0xFFFFE000  }
0x5a: {  	[tilespmem:s20], [sflag:$0x2] =	stream.indirect.gather [spmem:s3], $0x40, s0, s18, $0xb8;
	[tilespmem:$0x1E780] =	vst v63  }
.Ltmp0:
0x5b: {  	_ = 	snop;
	(pc) =	sbr.rel @p2 .LBB2_2-.Ltmp0, $4  }
0x5c: {  	s0 =	sadd.s32 $0x2880, s1  }
0x5d: {  	[spmem:s2] =	stream.indirect.scatter.add.f32 [tilespmem:s22], [sflag:$0x4], $0x40, s0, s18, $0xb8;
	[tilespmem:$0x1E780] =	vst v63  }
0x5e: {  	_ =	swait.ge [sflag:s15], $0x2000  }
0x5f: {  	[sflag:s15] =	ssyncset.done $0x0  }
0x60: {  	[sflag:s15] =	ssyncadd.s32 $0xFFFFE000  }
0x61: {  	_ =	swait.ge [sflag:s21], $0x2000  }
0x62: {  	[sflag:s21] =	ssyncset.done $0x0  }
0x63: {  	[sflag:s21] =	ssyncadd.s32 $0xFFFFE000  }
0x64: {  	[tilespmem:s22], [sflag:$0x3] =	stream.indirect.gather [spmem:s3], $0x40, s25, s18, $0xb8;
	[tilespmem:$0x1E780] =	vst v63  }
0x65: {  	_ = 	snop  }
0x66: {  	[spmem:s2] =	stream.indirect.scatter.add.f32 [tilespmem:s19], [sflag:$0x4], $0x40, s26, s18, $0xb8;
	[tilespmem:$0x1E780] =	vst v63  }
0x67: {  	_ =	swait.ge [sflag:s15], $0x2000  }
0x68: {  	[sflag:s15] =	ssyncset.done $0x0  }
0x69: {  	[sflag:s15] =	ssyncadd.s32 $0xFFFFE000  }
0x6a: {  	_ =	swait.ge [sflag:s23], $0x2000  }
0x6b: {  	[sflag:s23] =	ssyncset.done $0x0  }
0x6c: {  	[sflag:s23] =	ssyncadd.s32 $0xFFFFE000  }
0x6d: {  	[tilespmem:s19], [sflag:$0x1] =	stream.indirect.gather [spmem:s3], $0x40, s25, s18, $0xb8;
	[tilespmem:$0x1E780] =	vst v63  }
0x6e: {  	_ = 	snop  }
0x6f: {  	[spmem:s2] =	stream.indirect.scatter.add.f32 [tilespmem:s20], [sflag:$0x4], $0x40, s28, s18, $0xb8;
	[tilespmem:$0x1E780] =	vst v63  }
0x70: {  	_ =	swait.ge [sflag:s15], $0x2000  }
0x71: {  	[sflag:s15] =	ssyncset.done $0x0  }
0x72: {  	[sflag:s15] =	ssyncadd.s32 $0xFFFFE000  }
0x73: {  	_ =	swait.ge [sflag:s24], $0x2000  }
0x74: {  	[sflag:s24] =	ssyncset.done $0x0  }
0x75: {  	[sflag:s24] =	ssyncadd.s32 $0xFFFFE000  }
0x76: {  	[tilespmem:s20], [sflag:$0x2] =	stream.indirect.gather [spmem:s3], $0x40, s25, s18, $0xb8;
	[tilespmem:$0x1E780] =	vst v63  }
0x77: {  	_ = 	snop  }
0x78: {  	[spmem:s2] =	stream.indirect.scatter.add.f32 [tilespmem:s22], [sflag:$0x4], $0x40, s29, s18, $0xb8;
	[tilespmem:$0x1E780] =	vst v63  }
0x79: {  	_ =	swait.ge [sflag:s15], $0x2000  }
0x7a: {  	[sflag:s15] =	ssyncset.done $0x0  }
0x7b: {  	[sflag:s15] =	ssyncadd.s32 $0xFFFFE000  }
0x7c: {  	_ =	swait.ge [sflag:s21], $0x2000  }
0x7d: {  	[sflag:s21] =	ssyncset.done $0x0  }
0x7e: {  	[sflag:s21] =	ssyncadd.s32 $0xFFFFE000  }
0x7f: {  	_ =	swait.ge [sflag:s23], $0x2000  }
0x80: {  	s0 =	simm.s32 @!p0 $0x80;
	[sflag:s23] =	ssyncset.done $0x0  }
0x81: {  	s1 =	simm.s32 @!p0 $0x2700;
	s31 =	simm.s32 @!p0 $0x4F00;
	[sflag:s23] =	ssyncadd.s32 $0xFFFFE000  }
0x82: {  	[tilespmem:s31], [sflag:$0x1] =	stream.indirect.gather @!p0 [spmem:s3], $0x40, s1, s0, $0xb8;
	[tilespmem:$0x1E780] =	vst v63  }
0x83: {  	s1 =	simm.s32 @!p0 $0x1  }
0x84: {  	_ =	swait.ge @!p0 [sflag:s1], $0x2000  }
0x85: {  	[sflag:s1] =	ssyncset.done @!p0 $0x0  }
0x86: {  	[sflag:s1] =	ssyncadd.s32 @!p0 $0xFFFFE000;
	s1 =	simm.s32 @!p0 $0x4E80  }
0x87: {  	[spmem:s2] =	stream.indirect.scatter.add.f32 @!p0 [tilespmem:s31], [sflag:$0x4], $0x40, s1, s0, $0xb8;
	[tilespmem:$0x1E780] =	vst v63  }
0x88: {  	s0 =	simm.s32 @!p0 $0x4  }
0x89: {  	_ =	swait.ge @!p0 [sflag:s0], $0x2000  }
0x8a: {  	[sflag:s0] =	ssyncset.done @!p0 $0x0  }
0x8b: {  	[sflag:s0] =	ssyncadd.s32 @!p0 $0xFFFFE000  }
0x8c: {  	[bflag:$0x0] =	sbarrier.arrive $0xFFFF  }
0x8d: {  	[hbm:s11], [sflag:s6] =	dma.local [spmem:s14], $0x1388  }
0x8e: {  	_ =	swait.ge [sflag:s15], $0x1388  }
0x8f: {  	s30 =	sadd.s32 $0x1, s30;
	[sflag:s15] =	ssyncset.done $0x0  }
0x90: {  	p2 =	sne.s32 s30, s13;
	s0 =	sshrl.u32 @!p1 s9, $0x3;
	[sflag:s15] =	ssyncadd.s32 $0xFFFFEC78  }
0x91: {  	[hbm:s12], [sflag:s6] =	dma.local @!p1 [spmem:s0], $0x1388  }
.Ltmp1:
0x92: {  	_ = 	snop;
	(pc) =	sbr.rel @p2 .LBB2_1-.Ltmp1, $4  }
0x93: {  	s0 =	simm.s32 @!p1 $0x4  }
0x94: {  	_ =	swait.ge @!p1 [sflag:s0], $0x1388  }
0x95: {  	[sflag:s0] =	ssyncset.done @!p1 $0x0  }
0x96: {  	[sflag:s0] =	ssyncadd.s32 @!p1 $0xFFFFEC78  }
0x97: {  	_ =	sfence.sel $0x180000  }
0x98: {  	[bflag:$0x0] =	sbarrier.arrive $0xFFFF  }
0x99: {  	_ =	strace $0x9000004A  }
0x9a: {  	s0 =	stileid.u32;
	[bflag:$0x2] =	sbarrier.arrive $0xFFFF  }
0x9b: {  	p0 =	sne.s32 s0, $0x0;
	s0 =	rddreg [dreg:$0x3]  }
0x9c: {  	s0 =	sadd.s32 @!p0 $0x100000, s0  }
0x9d: {  	[sflag:s0] =	ssyncadd.tile.s32 @!p0 $0x1;
	_ =	shalt  }
.Lfunc_end2:
_tile_overlayer_lowered:
.L_overlay_start_2:
0x9e: {  	(tag) =	ssettag $0x2  }
0x9f: {  	s0 =	rddreg [dreg:$0x0];
	s2 =	stileid.u32  }
0xa0: {  	s1 =	rddreg [dreg:$0x1];
	p0 =	sne.s32 s2, $0x0  }
0xa1: {  	s3 =	rddreg [dreg:$0x2];
	[bflag:$0x3] =	sbarrier.arrive $0xFFFF;
	s2 =	simm.s32 @!p0 $0x1C04  }
0xa2: {  	[timem:s3], [sflag:s2] =	dma.local @!p0 [hbm:s0], s1  }
0xa3: {  	s0 =	simm.s32 @!p0 $0x4  }
0xa4: {  	_ =	swait.ge @!p0 [sflag:s0], s1  }
0xa5: {  	s1 =	ssub.s32 @!p0 $0x0, s1;
	[sflag:s0] =	ssyncset.done @!p0 $0x0  }
0xa6: {  	[sflag:s0] =	ssyncadd.s32 @!p0 s1  }
0xa7: {  	[bflag:$0x3] =	sbarrier.arrive $0xFFFF  }
0xa8: {  	_ =	shalt  }

// kernel: kernel.15.cloned.1.call-start
scs
__scs_entry_jumppad:
0x0: {  	(pc) =	sbr.rel $0x88, $3  }
0x1: {  	(tag) =	ssettag $0x0;
	lr =	simm.s32 $0x1  }
0x2: {  	[smem:$0x3F95] =	sst lr;
	_ =	strace $0xD0000000  }
0x3: {  	_ = 	snop  }
0x4: {  	_ = 	snop  }
0x5: {  	_ = 	snop  }
0x6: {  	_ = 	snop  }
0x7: {  	_ = 	snop  }
__scs_overlays_trampoline_lowered:
0x8: {  	[smem:$0x3FA4] =	sst s0  }
0x9: {  	[smem:$0x3FA5] =	sst s1  }
0xa: {  	[smem:$0x3FA6] =	sst s2  }
0xb: {  	[smem:$0x3FA7] =	sst s3  }
0xc: {  	[smem:$0x3FA8] =	sst s4  }
0xd: {  	[smem:$0x3FA9] =	sst s5  }
0xe: {  	[smem:$0x3FAA] =	sst s6  }
0xf: {  	[smem:$0x3FAB] =	sst s7  }
0x10: {  	[smem:$0x3FAC] =	sst s8  }
0x11: {  	[smem:$0x3FAD] =	sst s9;
	s0 =	simm.s32 @!p0 $0x0  }
0x12: {  	s1 =	sld [smem:$0x3F93];
	s0 =	simm.s32 @p0 $0x1  }
0x13: {  	[smem:$0x3FAE] =	sst s0;
	s0 =	simm.s32 @!p1 $0x0  }
0x14: {  	s2 =	sld [smem:$0x3F92];
	s0 =	simm.s32 @p1 $0x1  }
0x15: {  	[smem:$0x3FAF] =	sst s0;
	s0 =	simm.s32 @!p2 $0x0  }
0x16: {  	s3 =	sld [smem:$0x3FDB];
	s0 =	simm.s32 @p2 $0x1  }
0x17: {  	s4 =	simm.s32 $0x1BF5;
	[smem:$0x3FB1] =	sst s0  }
0x18: {  	s0 =	sld [smem:$0x3F94];
	_ =	swait.ge [sflag:s4], $0x0  }
0x19: {  	s7 =	sld [smem:$0x3F95]  }
0x1a: {  	s8 =	sadd.s32 $0xFFFFE003, lr  }
0x1b: {  	s9 =	sadd.s32 $0xFFFFFEF7, lr;
	s5 =	simm.s32 $0xFFFFFFFF;
	p2 =	slt.u32 s8, $0xFFFFF086  }
0x1c: {  	p1 =	slt.u32 s9, $0xF7A;
	s5 =	simm.s32 @!p2 $0x0  }
0x1d: {  	s5 =	simm.s32 @p1 $0x1;
	p0 =	seq.s32 s7, s2  }
0x1e: {  	s7 =	smul.u32 @!p0 $0xF7A, s2;
	p2 =	seq.s32 @!p0 s5, $0x0  }
0x1f: {  	s9 =	smul.u32 $0xF7A, s1;
	s8 =	simm.s32 @!p0 $0x1BF5;
	p2 =	por !p2, p0  }
0x20: {  	[sflag:s8] =	ssyncset.s32 @!p0 $0xFFFFF086;
	s6 =	sadd.s32 @!p0 s3, s7;
	s7 =	simm.s32 @!p0 $0x108  }
0x21: {  	s3 =	sadd.s32 s3, s9;
	s6 =	sadd.s32 @!p0 $0x88, s6;
	s7 =	simm.s32 @p2 $0x1082  }
0x22: {  	[simem:s7], [sflag:s8] =	dma.local @!p0 [hbm:s6], $0xF7A  }
0x23: {  	s9 =	sor.u32 $0xD0000000, s2;
	s6 =	simm.s32 $0x108;
	_ =	swait.ge @!p0 [sflag:s8], $0x0  }
0x24: {  	s3 =	sadd.s32 $0x88, s3;
	s6 =	simm.s32 @!p1 $0x1082;
	[sflag:s4] =	ssyncset.s32 $0xFFFFF086  }
0x25: {  	[simem:s6], [sflag:s4] =	dma.local [hbm:s3], $0xF7A  }
0x26: {  	[smem:$0x3F95] =	sst s1;
	(tag) =	ssettag s2;
	_ =	strace s9  }
0x27: {  	s1 =	sld [smem:$0x3FA5]  }
0x28: {  	s2 =	sld [smem:$0x3FA6]  }
0x29: {  	s4 =	sld [smem:$0x3FA8]  }
0x2a: {  	p0 =	seq.s32 s5, $0x0;
	s5 =	sld [smem:$0x3FA9]  }
0x2b: {  	s6 =	sld [smem:$0x3FAA]  }
0x2c: {  	s7 =	sld [smem:$0x3FAB]  }
0x2d: {  	s3 =	simm.s32 $0x108;
	s8 =	sld [smem:$0x3FAC]  }
0x2e: {  	s3 =	simm.s32 @!p0 $0x1082;
	s9 =	sld [smem:$0x3FAD]  }
0x2f: {  	lr =	sadd.s32 s0, s3;
	s0 =	sld [smem:$0x3FA4]  }
0x30: {  	s3 =	sld [smem:$0x3FA7]  }
0x31: {  	[smem:$0x3FB0] =	sst s10  }
0x32: {  	s10 =	sld [smem:$0x3FAE];
	_ =	sdelay $0x3  }
0x33: {  	p0 =	seq.s32 s10, $0x1;
	s10 =	sld [smem:$0x3FB0];
	_ =	sdelay $0x3  }
0x34: {  	[smem:$0x3FB0] =	sst s10  }
0x35: {  	s10 =	sld [smem:$0x3FAF];
	_ =	sdelay $0x3  }
0x36: {  	p1 =	seq.s32 s10, $0x1;
	s10 =	sld [smem:$0x3FB0];
	_ =	sdelay $0x3  }
0x37: {  	[smem:$0x3FB0] =	sst s10  }
0x38: {  	s10 =	sld [smem:$0x3FB1]  }
0x39: {  	_ = 	snop;
	(pc) =	sbr.ind lr, $3  }
0x3a: {  	_ = 	snop  }
0x3b: {  	_ = 	snop  }
0x3c: {  	p2 =	seq.s32 s10, $0x1;
	s10 =	sld [smem:$0x3FB0]  }
0x3d: {  	_ =	shalt  }
0x3e: {  	_ =	shalt  }
0x3f: {  	_ =	shalt  }
0x40: {  	_ =	shalt  }
0x41: {  	_ =	shalt  }
0x42: {  	_ =	shalt  }
0x43: {  	_ =	shalt  }
0x44: {  	_ =	shalt  }
0x45: {  	_ =	shalt  }
0x46: {  	_ =	shalt  }
0x47: {  	_ =	shalt  }
0x48: {  	_ =	shalt  }
0x49: {  	_ =	shalt  }
0x4a: {  	_ =	shalt  }
0x4b: {  	_ =	shalt  }
0x4c: {  	_ =	shalt  }
0x4d: {  	_ =	shalt  }
0x4e: {  	_ =	shalt  }
0x4f: {  	_ =	shalt  }
0x50: {  	_ =	shalt  }
0x51: {  	_ =	shalt  }
0x52: {  	_ =	shalt  }
0x53: {  	_ =	shalt  }
0x54: {  	_ =	shalt  }
0x55: {  	_ =	shalt  }
0x56: {  	_ =	shalt  }
0x57: {  	_ =	shalt  }
0x58: {  	_ =	shalt  }
0x59: {  	_ =	shalt  }
0x5a: {  	_ =	shalt  }
0x5b: {  	_ =	shalt  }
0x5c: {  	_ =	shalt  }
0x5d: {  	_ =	shalt  }
0x5e: {  	_ =	shalt  }
0x5f: {  	_ =	shalt  }
0x60: {  	_ =	shalt  }
0x61: {  	_ =	shalt  }
0x62: {  	_ =	shalt  }
0x63: {  	_ =	shalt  }
0x64: {  	_ =	shalt  }
0x65: {  	_ =	shalt  }
0x66: {  	_ =	shalt  }
0x67: {  	_ =	shalt  }
0x68: {  	_ =	shalt  }
0x69: {  	_ =	shalt  }
0x6a: {  	_ =	shalt  }
0x6b: {  	_ =	shalt  }
0x6c: {  	_ =	shalt  }
0x6d: {  	_ =	shalt  }
0x6e: {  	_ =	shalt  }
0x6f: {  	_ =	shalt  }
0x70: {  	_ =	shalt  }
0x71: {  	_ =	shalt  }
0x72: {  	_ =	shalt  }
0x73: {  	_ =	shalt  }
0x74: {  	_ =	shalt  }
0x75: {  	_ =	shalt  }
0x76: {  	_ =	shalt  }
0x77: {  	_ =	shalt  }
0x78: {  	_ =	shalt  }
0x79: {  	_ =	shalt  }
0x7a: {  	_ =	shalt  }
0x7b: {  	_ =	shalt  }
0x7c: {  	_ =	shalt  }
0x7d: {  	_ =	shalt  }
0x7e: {  	_ =	shalt  }
0x7f: {  	_ =	shalt  }
0x80: {  	_ =	shalt  }
0x81: {  	_ =	shalt  }
0x82: {  	_ =	shalt  }
0x83: {  	_ =	shalt  }
0x84: {  	_ =	shalt  }
0x85: {  	_ =	shalt  }
0x86: {  	_ =	shalt  }
0x87: {  	_ =	shalt  }
.Lfunc_end0:
.L_simem_size_0:
called_computation.2_lowered:
.L_overlay_start_0:
0x88: {  	s2 =	sld [smem:$0x3FD9]  }
0x89: {  	s3 =	sld [smem:$0x3FFE];
	_ =	sdelay $0x1  }
0x8a: {  	s1 =	srdreg.scid  }
0x8b: {  	s0 =	sand.u32 $0x1, s1  }
0x8c: {  	s16 =	sshll.u32 s0, $0xA;
	s2 =	sadd.s32 s3, s2  }
0x8d: {  	s2 =	sadd.s32 s2, s16  }
0x8e: {  	[smem:$0x3FBC] =	sst s2  }
0x8f: {  	_ = 	snop  }
0x90: {  	(tm) =	ssettm $0x1  }
0x91: {  	s17 =	sld [smem:$0x3FFB];
	_ =	sdelay $0x3  }
0x92: {  	_ =	strace s17  }
0x93: {  	s2 =	sld [smem:$0x3FFC];
	_ =	sdelay $0x3  }
0x94: {  	_ =	strace s2  }
0x95: {  	s2 =	sld [smem:$0x3FFD];
	_ =	sdelay $0x3  }
0x96: {  	_ =	strace s2  }
0x97: {  	_ =	strace $0x8FFFFFFF  }
0x98: {  	s18 =	sld [smem:$0x3FDB];
	_ =	sdelay $0x1  }
0x99: {  	s19 =	simm.s32 $_scs_section_size  }
0x9a: {  	s4 =	simm.s32 $_size__tile_overlayer_lowered;
	s5 =	simm.s32 $_tile_overlayer_lowered  }
0x9b: {  	s22 =	simm.s32 $0x1BFF;
	s21 =	sshll.u32 s5, $0x1;
	s2 =	sadd.s32 s19, s18  }
0x9c: {  	s6 =	simm.s32 $0x0;
	s20 =	sshll.u32 s4, $0x1;
	s4 =	sadd.s32 s21, s2  }
0x9d: {  	[timem:s6], [sflag:s22] =	dma.local [hbm:s4], s20  }
0x9e: {  	_ =	swait.ge [sflag:s22], s20  }
0x9f: {  	s3 =	ssub.s32 $0x0, s20;
	[sflag:s22] =	ssyncset.done $0x0  }
0xa0: {  	[sflag:s22] =	ssyncadd.s32 s3;
	_ =	sdelay $0x1  }
0xa1: {  	s23 =	simm.s32 $0x1B8B  }
0xa2: {  	_ =	swait.ge [sflag:s23], $0x1  }
0xa3: {  	[sflag:s23] =	ssyncset.done $0x0  }
0xa4: {  	s25 =	simm.s32 $0x1B8E;
	s24 =	sld [smem:$0x3FFE];
	[sflag:s23] =	ssyncadd.s32 $0xFFFFFFFF  }
0xa5: {  	s26 =	simm.s32 $execute0_lowered;
	[smem:$0x3FD2] =	sst s25  }
0xa6: {  	s4 =	sshll.u32 s26, $0x1;
	_ =	strace $0x8000004C;
	[dreg:$0x1] =	wrdreg $0xFFFFFFFF  }
0xa7: {  	s28 =	simm.s32 $_size_execute0_lowered;
	s2 =	sadd.s32 s2, s4;
	[dreg:$0x0] =	wrdreg $0x0  }
0xa8: {  	s4 =	sshll.u32 s28, $0x1;
	[dreg:$0x2] =	wrdreg s2  }
0xa9: {  	[dreg:$0x3] =	wrdreg s4  }
0xaa: {  	[dreg:$0x4] =	wrdreg $0xC0  }
0xab: {  	_ =	task [dreg:s6], $0x5FFFF  }
0xac: {  	[dreg:$0x1] =	wrdreg $0xFFFFFFFF  }
0xad: {  	[dreg:$0x0] =	wrdreg $0x60  }
0xae: {  	[dreg:$0x2] =	wrdreg s24  }
0xaf: {  	[dreg:$0x3] =	wrdreg $0xAF000  }
0xb0: {  	[dreg:$0x4] =	wrdreg $0x14B400  }
0xb1: {  	[dreg:$0x5] =	wrdreg $0x9  }
0xb2: {  	_ =	task.clear_ibuf [dreg:s6], $0x6FFFF;
	_ =	strace $0x9000004C  }
0xb3: {  	s29 =	simm.s32 $0x9;
	_ =	strace $0x8000004E  }
0xb4: {  	_ =	swait.ge [sflag:s29], $0x1  }
0xb5: {  	[sflag:s29] =	ssyncadd.s32 $0xFFFFFFFF  }
0xb6: {  	_ =	strace $0x9000004E  }
0xb7: {  	_ =	sfence  }
0xb8: {  	s30 =	sld [smem:$0x0];
	_ =	sdelay $0x2  }
0xb9: {  	s31 =	sshll.u32 s1, $0xD;
	s1 =	sshrl.u32 s1, $0x2  }
0xba: {  	s3 =	sand.u32 $0x4000, s31;
	s1 =	sadd.s32 s1, s30  }
0xbb: {  	s0 =	sor.u32 s3, s0;
	s1 =	sshll.u32 s1, $0x11  }
0xbc: {  	s0 =	sor.u32 s1, s0  }
0xbd: {  	s0 =	sadd.s32 $0x8F2B, s0  }
0xbe: {  	[sflag:s0] =	ssyncadd.remote.s32 $0x1  }
0xbf: {  	_ =	sfence.sel $0xFFFF  }
0xc0: {  	[dreg:$0x0] =	wrdreg $0xFFFFFFFF;
	(pc) =	sbr.abs _section_cstart, $3  }
0xc1: {  	[dreg:$0x1] =	wrdreg $0xFFFFFFFF  }
0xc2: {  	_ =	task.clear_ibuf [dreg:s6], $0x2FFFF;
	_ =	strace $0x9FFFFFFF  }
0xc3: {  	(tm) =	ssettm $0x7FFFFFFF  }
tec
execute0_lowered:
.L_overlay_start_1:
0x0: {  	(tag) =	ssettag $0x1  }
0x1: {  	s6 =	rddreg [dreg:$0x0]  }
0x2: {  	s1 =	rddreg [dreg:$0x1]  }
0x3: {  	s3 =	rddreg [dreg:$0x2]  }
0x4: {  	s0 =	rddreg [dreg:$0x3];
	s4 =	simm.s32 $0x0;
	s2 =	stileid.u32  }
0x5: {  	s5 =	srdreg.scid;
	s16 =	simm.s32 $0x80;
	s17 =	simm.s32 $0x4F00  }
0x6: {  	s18 =	simm.s32 $0x6F00;
	s19 =	simm.s32 $0x1;
	s20 =	simm.s32 $0x8F00  }
0x7: {  	s21 =	simm.s32 $0x2;
	s22 =	simm.s32 $0x3;
	s23 =	simm.s32 $0x2680  }
0x8: {  	s28 =	simm.s32 $0x0;
	[smem:$0x7FF] =	sst s4;
	s9 =	smul.u32 $0x9C40, s2  }
0x9: {  	s7 =	sand.u32 $0x1, s5;
	s24 =	sshll.u32 s2, $0x1;
	s5 =	sadd.s32 $0x30000, s6  }
0xa: {  	s31 =	sshll.u32 s2, $0x6;
	p0 =	slt.u32 s2, $0xE;
	_ =	strace $0x8000004D  }
0xb: {  	s10 =	smul.u32 $0x9C400, s7;
	s11 =	sor.u32 s7, s24;
	s7 =	ssub.s32 $0x2, s7  }
0xc: {  	s24 =	simm.s32 $0x4D00;
	s8 =	sshrl.u32 s9, $0x3;
	s25 =	smul.u32 $0x4E, s11  }
0xd: {  	s11 =	smax.u32 s11, $0x1C;
	s13 =	sshrl.u32 s7, $0x1;
	s30 =	sadd.s32 s9, s1  }
0xe: {  	s15 =	sadd.s32 s9, s3;
	s12 =	sadd.s32 s8, s6;
	s10 =	sadd.s32 s9, s10  }
0xf: {  	s26 =	ssub.s32 s7, s13;
	s13 =	simm.s32 $0x4;
	s15 =	sshrl.u32 s15, $0x3  }
0x10: {  	s10 =	sshrl.u32 s10, $0x3;
	s8 =	sadd.s32 s25, s11;
	s9 =	sadd.s32 $0x17400, s12  }
0x11: {  	s11 =	smax.u32 s26, $0x1;
	s12 =	sshrl.u32 s30, $0x3;
	s25 =	simm.s32 $0x4D80  }
0x12: {  	s26 =	simm.s32 $0x4E00;
	s10 =	sadd.s32 s10, s6;
	s29 =	sshll.u32 s8, $0x4  }
0x13: {  	s14 =	sadd.s32 s6, s29;
	s6 =	sor.u32 $0x1C04, s31;
	s10 =	sadd.s32 $0x31400, s10  }
0x14: {  	s7 =	sadd.s32 $0x3840, s14;
	s8 =	sadd.s32 $0xD480, s14;
	s14 =	simm.s32 $0x2780  }
.LBB2_1:
0x15: {  	[spmem:s12], [sflag:s6] =	dma.local [hbm:s5], $0x1388  }
0x16: {  	_ =	swait.ge [sflag:s13], $0x1388  }
0x17: {  	[sflag:s13] =	ssyncset.done $0x0  }
0x18: {  	[sflag:s13] =	ssyncadd.s32 $0xFFFFEC78  }
0x19: {  	[tilespmem:s4], [sflag:$0x4] =	stream.linear.gather [hbm4b:s7+s4], $0x2780, $0x38;
	[tilespmem:$0x1E780] =	vst v63  }
0x1a: {  	_ =	swait.ge [sflag:s13], $0x2780  }
0x1b: {  	[sflag:s13] =	ssyncset.done $0x0  }
0x1c: {  	[sflag:s13] =	ssyncadd.s32 $0xFFFFD880  }
0x1d: {  	[tilespmem:s14], [sflag:$0x4] =	stream.linear.gather [hbm4b:s8+s4], $0x2780, $0x38;
	[tilespmem:$0x1E780] =	vst v63  }
0x1e: {  	_ =	swait.ge [sflag:s13], $0x2780  }
0x1f: {  	[sflag:s13] =	ssyncset.done $0x0  }
0x20: {  	[sflag:s13] =	ssyncadd.s32 $0xFFFFD880  }
0x21: {  	[spmem:s15], [sflag:s6] =	dma.local [hbm:s9], $0x1388  }
0x22: {  	_ =	swait.ge [sflag:s13], $0x1388  }
0x23: {  	[sflag:s13] =	ssyncset.done $0x0  }
0x24: {  	[sflag:s13] =	ssyncadd.s32 $0xFFFFEC78  }
0x25: {  	[bflag:$0x0] =	sbarrier.arrive $0xFFFF  }
0x26: {  	[tilespmem:s17], [sflag:$0x1] =	stream.indirect.gather [spmem:s3], $0x40, s4, s16, $0xb8;
	[tilespmem:$0x1E780] =	vst v63  }
0x27: {  	_ = 	snop  }
0x28: {  	[tilespmem:s18], [sflag:$0x2] =	stream.indirect.gather [spmem:s3], $0x40, s16, s16, $0xb8;
	[tilespmem:$0x1E780] =	vst v63  }
0x29: {  	_ =	swait.ge [sflag:s19], $0x2000  }
0x2a: {  	[sflag:s19] =	ssyncset.done $0x0  }
0x2b: {  	s29 =	simm.s32 $0x100;
	[sflag:s19] =	ssyncadd.s32 $0xFFFFE000  }
0x2c: {  	[tilespmem:s20], [sflag:$0x3] =	stream.indirect.gather [spmem:s3], $0x40, s29, s16, $0xb8;
	[tilespmem:$0x1E780] =	vst v63  }
0x2d: {  	s29 =	simm.s32 $0x2780  }
0x2e: {  	[spmem:s1] =	stream.indirect.scatter.add.f32 [tilespmem:s17], [sflag:$0x4], $0x40, s29, s16, $0xb8;
	[tilespmem:$0x1E780] =	vst v63  }
0x2f: {  	_ =	swait.ge [sflag:s13], $0x2000  }
0x30: {  	[sflag:s13] =	ssyncset.done $0x0  }
0x31: {  	[sflag:s13] =	ssyncadd.s32 $0xFFFFE000  }
0x32: {  	_ =	swait.ge [sflag:s21], $0x2000  }
0x33: {  	[sflag:s21] =	ssyncset.done $0x0  }
0x34: {  	s29 =	simm.s32 $0x180;
	[sflag:s21] =	ssyncadd.s32 $0xFFFFE000  }
0x35: {  	[tilespmem:s17], [sflag:$0x1] =	stream.indirect.gather [spmem:s3], $0x40, s29, s16, $0xb8;
	[tilespmem:$0x1E780] =	vst v63  }
0x36: {  	s29 =	simm.s32 $0x2800  }
0x37: {  	[spmem:s1] =	stream.indirect.scatter.add.f32 [tilespmem:s18], [sflag:$0x4], $0x40, s29, s16, $0xb8;
	[tilespmem:$0x1E780] =	vst v63  }
0x38: {  	_ =	swait.ge [sflag:s13], $0x2000  }
0x39: {  	[sflag:s13] =	ssyncset.done $0x0  }
0x3a: {  	[sflag:s13] =	ssyncadd.s32 $0xFFFFE000  }
0x3b: {  	_ =	swait.ge [sflag:s22], $0x2000  }
0x3c: {  	[sflag:s22] =	ssyncset.done $0x0  }
0x3d: {  	s29 =	simm.s32 $0x200;
	[sflag:s22] =	ssyncadd.s32 $0xFFFFE000  }
0x3e: {  	[tilespmem:s18], [sflag:$0x2] =	stream.indirect.gather [spmem:s3], $0x40, s29, s16, $0xb8;
	[tilespmem:$0x1E780] =	vst v63  }
0x3f: {  	s29 =	simm.s32 $0x2880  }
0x40: {  	[spmem:s1] =	stream.indirect.scatter.add.f32 [tilespmem:s20], [sflag:$0x4], $0x40, s29, s16, $0xb8;
	[tilespmem:$0x1E780] =	vst v63  }
0x41: {  	_ =	swait.ge [sflag:s13], $0x2000  }
0x42: {  	s29 =	simm.s32 $0x600;
	[sflag:s13] =	ssyncset.done $0x0  }
.LBB2_2:
0x43: {  	p1 =	sne.s32 s29, $0x9000  }
0x44: {  	[sflag:s13] =	ssyncadd.s32 $0xFFFFE000;
	s30 =	smov.u32 s29;
	s29 =	sadd.s32 $0x600, s29  }
0x45: {  	_ = 	snop  }
0x46: {  	_ =	swait.ge [sflag:s19], $0x2000  }
0x47: {  	s30 =	sshra.s32 s30, $0x2;
	[sflag:s19] =	ssyncset.done $0x0  }
0x48: {  	s31 =	sadd.s32 $0x100, s30;
	[sflag:s19] =	ssyncadd.s32 $0xFFFFE000  }
0x49: {  	[tilespmem:s20], [sflag:$0x3] =	stream.indirect.gather [spmem:s3], $0x40, s31, s16, $0xb8;
	[tilespmem:$0x1E780] =	vst v63  }
0x4a: {  	s31 =	sadd.s32 $0x2780, s30  }
0x4b: {  	[spmem:s1] =	stream.indirect.scatter.add.f32 [tilespmem:s17], [sflag:$0x4], $0x40, s31, s16, $0xb8;
	[tilespmem:$0x1E780] =	vst v63  }
0x4c: {  	_ =	swait.ge [sflag:s13], $0x2000  }
0x4d: {  	[sflag:s13] =	ssyncset.done $0x0  }
0x4e: {  	[sflag:s13] =	ssyncadd.s32 $0xFFFFE000  }
0x4f: {  	_ =	swait.ge [sflag:s21], $0x2000  }
0x50: {  	[sflag:s21] =	ssyncset.done $0x0  }
0x51: {  	s31 =	sadd.s32 $0x180, s30;
	[sflag:s21] =	ssyncadd.s32 $0xFFFFE000  }
0x52: {  	[tilespmem:s17], [sflag:$0x1] =	stream.indirect.gather [spmem:s3], $0x40, s31, s16, $0xb8;
	[tilespmem:$0x1E780] =	vst v63  }
0x53: {  	s31 =	sadd.s32 $0x2800, s30  }
0x54: {  	[spmem:s1] =	stream.indirect.scatter.add.f32 [tilespmem:s18], [sflag:$0x4], $0x40, s31, s16, $0xb8;
	[tilespmem:$0x1E780] =	vst v63  }
0x55: {  	_ =	swait.ge [sflag:s13], $0x2000  }
0x56: {  	[sflag:s13] =	ssyncset.done $0x0  }
0x57: {  	[sflag:s13] =	ssyncadd.s32 $0xFFFFE000  }
0x58: {  	_ =	swait.ge [sflag:s22], $0x2000  }
0x59: {  	[sflag:s22] =	ssyncset.done $0x0  }
0x5a: {  	s31 =	sadd.s32 $0x200, s30;
	[sflag:s22] =	ssyncadd.s32 $0xFFFFE000  }
0x5b: {  	[tilespmem:s18], [sflag:$0x2] =	stream.indirect.gather [spmem:s3], $0x40, s31, s16, $0xb8;
	[tilespmem:$0x1E780] =	vst v63  }
.Ltmp0:
0x5c: {  	_ = 	snop;
	(pc) =	sbr.rel @p1 .LBB2_2-.Ltmp0, $4  }
0x5d: {  	s30 =	sadd.s32 $0x2880, s30  }
0x5e: {  	[spmem:s1] =	stream.indirect.scatter.add.f32 [tilespmem:s20], [sflag:$0x4], $0x40, s30, s16, $0xb8;
	[tilespmem:$0x1E780] =	vst v63  }
0x5f: {  	_ =	swait.ge [sflag:s13], $0x2000  }
0x60: {  	[sflag:s13] =	ssyncset.done $0x0  }
0x61: {  	[sflag:s13] =	ssyncadd.s32 $0xFFFFE000  }
0x62: {  	_ =	swait.ge [sflag:s19], $0x2000  }
0x63: {  	[sflag:s19] =	ssyncset.done $0x0  }
0x64: {  	[sflag:s19] =	ssyncadd.s32 $0xFFFFE000  }
0x65: {  	[tilespmem:s20], [sflag:$0x3] =	stream.indirect.gather [spmem:s3], $0x40, s23, s16, $0xb8;
	[tilespmem:$0x1E780] =	vst v63  }
0x66: {  	_ = 	snop  }
0x67: {  	[spmem:s1] =	stream.indirect.scatter.add.f32 [tilespmem:s17], [sflag:$0x4], $0x40, s24, s16, $0xb8;
	[tilespmem:$0x1E780] =	vst v63  }
0x68: {  	_ =	swait.ge [sflag:s13], $0x2000  }
0x69: {  	[sflag:s13] =	ssyncset.done $0x0  }
0x6a: {  	[sflag:s13] =	ssyncadd.s32 $0xFFFFE000  }
0x6b: {  	_ =	swait.ge [sflag:s21], $0x2000  }
0x6c: {  	[sflag:s21] =	ssyncset.done $0x0  }
0x6d: {  	[sflag:s21] =	ssyncadd.s32 $0xFFFFE000  }
0x6e: {  	[tilespmem:s17], [sflag:$0x1] =	stream.indirect.gather [spmem:s3], $0x40, s23, s16, $0xb8;
	[tilespmem:$0x1E780] =	vst v63  }
0x6f: {  	_ = 	snop  }
0x70: {  	[spmem:s1] =	stream.indirect.scatter.add.f32 [tilespmem:s18], [sflag:$0x4], $0x40, s25, s16, $0xb8;
	[tilespmem:$0x1E780] =	vst v63  }
0x71: {  	_ =	swait.ge [sflag:s13], $0x2000  }
0x72: {  	[sflag:s13] =	ssyncset.done $0x0  }
0x73: {  	[sflag:s13] =	ssyncadd.s32 $0xFFFFE000  }
0x74: {  	_ =	swait.ge [sflag:s22], $0x2000  }
0x75: {  	[sflag:s22] =	ssyncset.done $0x0  }
0x76: {  	[sflag:s22] =	ssyncadd.s32 $0xFFFFE000  }
0x77: {  	[tilespmem:s18], [sflag:$0x2] =	stream.indirect.gather [spmem:s3], $0x40, s23, s16, $0xb8;
	[tilespmem:$0x1E780] =	vst v63  }
0x78: {  	_ = 	snop  }
0x79: {  	[spmem:s1] =	stream.indirect.scatter.add.f32 [tilespmem:s20], [sflag:$0x4], $0x40, s26, s16, $0xb8;
	[tilespmem:$0x1E780] =	vst v63  }
0x7a: {  	_ =	swait.ge [sflag:s13], $0x2000  }
0x7b: {  	[sflag:s13] =	ssyncset.done $0x0  }
0x7c: {  	[sflag:s13] =	ssyncadd.s32 $0xFFFFE000  }
0x7d: {  	_ =	swait.ge [sflag:s19], $0x2000  }
0x7e: {  	[sflag:s19] =	ssyncset.done $0x0  }
0x7f: {  	[sflag:s19] =	ssyncadd.s32 $0xFFFFE000  }
0x80: {  	_ =	swait.ge [sflag:s21], $0x2000  }
0x81: {  	s29 =	simm.s32 @!p0 $0x80;
	[sflag:s21] =	ssyncset.done $0x0  }
0x82: {  	s30 =	simm.s32 @!p0 $0x2700;
	s31 =	simm.s32 @!p0 $0x4F00;
	[sflag:s21] =	ssyncadd.s32 $0xFFFFE000  }
0x83: {  	[tilespmem:s31], [sflag:$0x1] =	stream.indirect.gather @!p0 [spmem:s3], $0x40, s30, s29, $0xb8;
	[tilespmem:$0x1E780] =	vst v63  }
0x84: {  	s30 =	simm.s32 @!p0 $0x1  }
0x85: {  	_ =	swait.ge @!p0 [sflag:s30], $0x2000  }
0x86: {  	[sflag:s30] =	ssyncset.done @!p0 $0x0  }
0x87: {  	[sflag:s30] =	ssyncadd.s32 @!p0 $0xFFFFE000;
	s30 =	simm.s32 @!p0 $0x4E80  }
0x88: {  	[spmem:s1] =	stream.indirect.scatter.add.f32 @!p0 [tilespmem:s31], [sflag:$0x4], $0x40, s30, s29, $0xb8;
	[tilespmem:$0x1E780] =	vst v63  }
0x89: {  	s29 =	simm.s32 @!p0 $0x4  }
0x8a: {  	_ =	swait.ge @!p0 [sflag:s29], $0x2000  }
0x8b: {  	s28 =	sadd.s32 $0x1, s28;
	[sflag:s29] =	ssyncset.done @!p0 $0x0  }
0x8c: {  	p1 =	sne.s32 s28, s11;
	[sflag:s29] =	ssyncadd.s32 @!p0 $0xFFFFE000  }
.Ltmp1:
0x8d: {  	[bflag:$0x0] =	sbarrier.arrive $0xFFFF;
	(pc) =	sbr.rel @p1 .LBB2_1-.Ltmp1, $4  }
0x8e: {  	[hbm:s10], [sflag:s6] =	dma.local [spmem:s12], $0x1388  }
0x8f: {  	_ =	swait.ge [sflag:s13], $0x1388  }
0x90: {  	[sflag:s13] =	ssyncset.done $0x0  }
0x91: {  	[sflag:s13] =	ssyncadd.s32 $0xFFFFEC78  }
0x92: {  	_ =	sfence.sel $0x180000  }
0x93: {  	[bflag:$0x0] =	sbarrier.arrive $0xFFFF  }
0x94: {  	p0 =	sne.s32 s2, $0x0;
	_ =	strace $0x9000004D  }
0x95: {  	s0 =	sadd.s32 @!p0 $0x100000, s0;
	[bflag:$0x2] =	sbarrier.arrive $0xFFFF  }
0x96: {  	[sflag:s0] =	ssyncadd.tile.s32 @!p0 $0x1;
	_ =	shalt  }
.Lfunc_end2:
_tile_overlayer_lowered:
.L_overlay_start_2:
0x97: {  	(tag) =	ssettag $0x2  }
0x98: {  	s0 =	rddreg [dreg:$0x0];
	s2 =	stileid.u32  }
0x99: {  	s1 =	rddreg [dreg:$0x1];
	p0 =	sne.s32 s2, $0x0  }
0x9a: {  	s3 =	rddreg [dreg:$0x2];
	[bflag:$0x3] =	sbarrier.arrive $0xFFFF;
	s2 =	simm.s32 @!p0 $0x1C04  }
0x9b: {  	[timem:s3], [sflag:s2] =	dma.local @!p0 [hbm:s0], s1  }
0x9c: {  	s0 =	simm.s32 @!p0 $0x4  }
0x9d: {  	_ =	swait.ge @!p0 [sflag:s0], s1  }
0x9e: {  	s1 =	ssub.s32 @!p0 $0x0, s1;
	[sflag:s0] =	ssyncset.done @!p0 $0x0  }
0x9f: {  	[sflag:s0] =	ssyncadd.s32 @!p0 s1  }
0xa0: {  	[bflag:$0x3] =	sbarrier.arrive $0xFFFF  }
0xa1: {  	_ =	shalt  }

// kernel: kernel.9.cloned.1.call-start
scs
__scs_entry_jumppad:
0x0: {  	(pc) =	sbr.rel $0x88, $3  }
0x1: {  	(tag) =	ssettag $0x0;
	lr =	simm.s32 $0x1  }
0x2: {  	[smem:$0x3F95] =	sst lr;
	_ =	strace $0xD0000000  }
0x3: {  	_ = 	snop  }
0x4: {  	_ = 	snop  }
0x5: {  	_ = 	snop  }
0x6: {  	_ = 	snop  }
0x7: {  	_ = 	snop  }
__scs_overlays_trampoline_lowered:
0x8: {  	[smem:$0x3FA4] =	sst s0  }
0x9: {  	[smem:$0x3FA5] =	sst s1  }
0xa: {  	[smem:$0x3FA6] =	sst s2  }
0xb: {  	[smem:$0x3FA7] =	sst s3  }
0xc: {  	[smem:$0x3FA8] =	sst s4  }
0xd: {  	[smem:$0x3FA9] =	sst s5  }
0xe: {  	[smem:$0x3FAA] =	sst s6  }
0xf: {  	[smem:$0x3FAB] =	sst s7  }
0x10: {  	[smem:$0x3FAC] =	sst s8  }
0x11: {  	[smem:$0x3FAD] =	sst s9;
	s0 =	simm.s32 @!p0 $0x0  }
0x12: {  	s1 =	sld [smem:$0x3F93];
	s0 =	simm.s32 @p0 $0x1  }
0x13: {  	[smem:$0x3FAE] =	sst s0;
	s0 =	simm.s32 @!p1 $0x0  }
0x14: {  	s2 =	sld [smem:$0x3F92];
	s0 =	simm.s32 @p1 $0x1  }
0x15: {  	[smem:$0x3FAF] =	sst s0;
	s0 =	simm.s32 @!p2 $0x0  }
0x16: {  	s3 =	sld [smem:$0x3FDB];
	s0 =	simm.s32 @p2 $0x1  }
0x17: {  	s4 =	simm.s32 $0x1BF5;
	[smem:$0x3FB1] =	sst s0  }
0x18: {  	s0 =	sld [smem:$0x3F94];
	_ =	swait.ge [sflag:s4], $0x0  }
0x19: {  	s7 =	sld [smem:$0x3F95]  }
0x1a: {  	s8 =	sadd.s32 $0xFFFFE003, lr  }
0x1b: {  	s9 =	sadd.s32 $0xFFFFFEF7, lr;
	s5 =	simm.s32 $0xFFFFFFFF;
	p2 =	slt.u32 s8, $0xFFFFF086  }
0x1c: {  	p1 =	slt.u32 s9, $0xF7A;
	s5 =	simm.s32 @!p2 $0x0  }
0x1d: {  	s5 =	simm.s32 @p1 $0x1;
	p0 =	seq.s32 s7, s2  }
0x1e: {  	s7 =	smul.u32 @!p0 $0xF7A, s2;
	p2 =	seq.s32 @!p0 s5, $0x0  }
0x1f: {  	s9 =	smul.u32 $0xF7A, s1;
	s8 =	simm.s32 @!p0 $0x1BF5;
	p2 =	por !p2, p0  }
0x20: {  	[sflag:s8] =	ssyncset.s32 @!p0 $0xFFFFF086;
	s6 =	sadd.s32 @!p0 s3, s7;
	s7 =	simm.s32 @!p0 $0x108  }
0x21: {  	s3 =	sadd.s32 s3, s9;
	s6 =	sadd.s32 @!p0 $0x88, s6;
	s7 =	simm.s32 @p2 $0x1082  }
0x22: {  	[simem:s7], [sflag:s8] =	dma.local @!p0 [hbm:s6], $0xF7A  }
0x23: {  	s9 =	sor.u32 $0xD0000000, s2;
	s6 =	simm.s32 $0x108;
	_ =	swait.ge @!p0 [sflag:s8], $0x0  }
0x24: {  	s3 =	sadd.s32 $0x88, s3;
	s6 =	simm.s32 @!p1 $0x1082;
	[sflag:s4] =	ssyncset.s32 $0xFFFFF086  }
0x25: {  	[simem:s6], [sflag:s4] =	dma.local [hbm:s3], $0xF7A  }
0x26: {  	[smem:$0x3F95] =	sst s1;
	(tag) =	ssettag s2;
	_ =	strace s9  }
0x27: {  	s1 =	sld [smem:$0x3FA5]  }
0x28: {  	s2 =	sld [smem:$0x3FA6]  }
0x29: {  	s4 =	sld [smem:$0x3FA8]  }
0x2a: {  	p0 =	seq.s32 s5, $0x0;
	s5 =	sld [smem:$0x3FA9]  }
0x2b: {  	s6 =	sld [smem:$0x3FAA]  }
0x2c: {  	s7 =	sld [smem:$0x3FAB]  }
0x2d: {  	s3 =	simm.s32 $0x108;
	s8 =	sld [smem:$0x3FAC]  }
0x2e: {  	s3 =	simm.s32 @!p0 $0x1082;
	s9 =	sld [smem:$0x3FAD]  }
0x2f: {  	lr =	sadd.s32 s0, s3;
	s0 =	sld [smem:$0x3FA4]  }
0x30: {  	s3 =	sld [smem:$0x3FA7]  }
0x31: {  	[smem:$0x3FB0] =	sst s10  }
0x32: {  	s10 =	sld [smem:$0x3FAE];
	_ =	sdelay $0x3  }
0x33: {  	p0 =	seq.s32 s10, $0x1;
	s10 =	sld [smem:$0x3FB0];
	_ =	sdelay $0x3  }
0x34: {  	[smem:$0x3FB0] =	sst s10  }
0x35: {  	s10 =	sld [smem:$0x3FAF];
	_ =	sdelay $0x3  }
0x36: {  	p1 =	seq.s32 s10, $0x1;
	s10 =	sld [smem:$0x3FB0];
	_ =	sdelay $0x3  }
0x37: {  	[smem:$0x3FB0] =	sst s10  }
0x38: {  	s10 =	sld [smem:$0x3FB1]  }
0x39: {  	_ = 	snop;
	(pc) =	sbr.ind lr, $3  }
0x3a: {  	_ = 	snop  }
0x3b: {  	_ = 	snop  }
0x3c: {  	p2 =	seq.s32 s10, $0x1;
	s10 =	sld [smem:$0x3FB0]  }
0x3d: {  	_ =	shalt  }
0x3e: {  	_ =	shalt  }
0x3f: {  	_ =	shalt  }
0x40: {  	_ =	shalt  }
0x41: {  	_ =	shalt  }
0x42: {  	_ =	shalt  }
0x43: {  	_ =	shalt  }
0x44: {  	_ =	shalt  }
0x45: {  	_ =	shalt  }
0x46: {  	_ =	shalt  }
0x47: {  	_ =	shalt  }
0x48: {  	_ =	shalt  }
0x49: {  	_ =	shalt  }
0x4a: {  	_ =	shalt  }
0x4b: {  	_ =	shalt  }
0x4c: {  	_ =	shalt  }
0x4d: {  	_ =	shalt  }
0x4e: {  	_ =	shalt  }
0x4f: {  	_ =	shalt  }
0x50: {  	_ =	shalt  }
0x51: {  	_ =	shalt  }
0x52: {  	_ =	shalt  }
0x53: {  	_ =	shalt  }
0x54: {  	_ =	shalt  }
0x55: {  	_ =	shalt  }
0x56: {  	_ =	shalt  }
0x57: {  	_ =	shalt  }
0x58: {  	_ =	shalt  }
0x59: {  	_ =	shalt  }
0x5a: {  	_ =	shalt  }
0x5b: {  	_ =	shalt  }
0x5c: {  	_ =	shalt  }
0x5d: {  	_ =	shalt  }
0x5e: {  	_ =	shalt  }
0x5f: {  	_ =	shalt  }
0x60: {  	_ =	shalt  }
0x61: {  	_ =	shalt  }
0x62: {  	_ =	shalt  }
0x63: {  	_ =	shalt  }
0x64: {  	_ =	shalt  }
0x65: {  	_ =	shalt  }
0x66: {  	_ =	shalt  }
0x67: {  	_ =	shalt  }
0x68: {  	_ =	shalt  }
0x69: {  	_ =	shalt  }
0x6a: {  	_ =	shalt  }
0x6b: {  	_ =	shalt  }
0x6c: {  	_ =	shalt  }
0x6d: {  	_ =	shalt  }
0x6e: {  	_ =	shalt  }
0x6f: {  	_ =	shalt  }
0x70: {  	_ =	shalt  }
0x71: {  	_ =	shalt  }
0x72: {  	_ =	shalt  }
0x73: {  	_ =	shalt  }
0x74: {  	_ =	shalt  }
0x75: {  	_ =	shalt  }
0x76: {  	_ =	shalt  }
0x77: {  	_ =	shalt  }
0x78: {  	_ =	shalt  }
0x79: {  	_ =	shalt  }
0x7a: {  	_ =	shalt  }
0x7b: {  	_ =	shalt  }
0x7c: {  	_ =	shalt  }
0x7d: {  	_ =	shalt  }
0x7e: {  	_ =	shalt  }
0x7f: {  	_ =	shalt  }
0x80: {  	_ =	shalt  }
0x81: {  	_ =	shalt  }
0x82: {  	_ =	shalt  }
0x83: {  	_ =	shalt  }
0x84: {  	_ =	shalt  }
0x85: {  	_ =	shalt  }
0x86: {  	_ =	shalt  }
0x87: {  	_ =	shalt  }
.Lfunc_end0:
.L_simem_size_0:
called_computation_lowered:
.L_overlay_start_0:
0x88: {  	s2 =	sld [smem:$0x3FD9]  }
0x89: {  	s3 =	sld [smem:$0x3FFE];
	_ =	sdelay $0x1  }
0x8a: {  	s1 =	srdreg.scid  }
0x8b: {  	s0 =	sand.u32 $0x1, s1  }
0x8c: {  	s17 =	sshll.u32 s0, $0xA;
	s2 =	sadd.s32 s3, s2  }
0x8d: {  	s2 =	sadd.s32 s2, s17  }
0x8e: {  	[smem:$0x3FBC] =	sst s2  }
0x8f: {  	_ = 	snop  }
0x90: {  	s2 =	sld [smem:$0x3FD0];
	(tm) =	ssettm $0x1  }
0x91: {  	s18 =	sld [smem:$0x3FFB];
	_ =	sdelay $0x3  }
0x92: {  	_ =	strace s18  }
0x93: {  	s3 =	sld [smem:$0x3FFC];
	_ =	sdelay $0x3  }
0x94: {  	_ =	strace s3  }
0x95: {  	s3 =	sld [smem:$0x3FFD];
	_ =	sdelay $0x3  }
0x96: {  	_ =	strace s3  }
0x97: {  	_ =	strace $0x8FFFFFFF  }
0x98: {  	s19 =	sld [smem:$0x3FDB];
	_ =	sdelay $0x1  }
0x99: {  	s4 =	simm.s32 $_scs_section_size  }
0x9a: {  	s5 =	simm.s32 $_size__tile_overlayer_lowered;
	s6 =	simm.s32 $_tile_overlayer_lowered  }
0x9b: {  	s22 =	simm.s32 $0x1BFF;
	s21 =	sshll.u32 s6, $0x1;
	s3 =	sadd.s32 s4, s19  }
0x9c: {  	s7 =	simm.s32 $0x0;
	s20 =	sshll.u32 s5, $0x1;
	s5 =	sadd.s32 s21, s3  }
0x9d: {  	[timem:s7], [sflag:s22] =	dma.local [hbm:s5], s20  }
0x9e: {  	_ =	swait.ge [sflag:s22], s20  }
0x9f: {  	s4 =	ssub.s32 $0x0, s20;
	[sflag:s22] =	ssyncset.done $0x0  }
0xa0: {  	[sflag:s22] =	ssyncadd.s32 s4;
	_ =	sdelay $0x1  }
0xa1: {  	s23 =	simm.s32 $0x1B8B  }
0xa2: {  	_ =	swait.ge [sflag:s23], $0x1  }
0xa3: {  	[sflag:s23] =	ssyncset.done $0x0  }
0xa4: {  	s25 =	simm.s32 $0x1B8E;
	s24 =	sld [smem:$0x3FFE];
	[sflag:s23] =	ssyncadd.s32 $0xFFFFFFFF  }
0xa5: {  	s26 =	simm.s32 $execute0_lowered;
	[smem:$0x3FD2] =	sst s25  }
0xa6: {  	s5 =	sshll.u32 s26, $0x1;
	_ =	strace $0x80000046;
	[dreg:$0x1] =	wrdreg $0xFFFFFFFF  }
0xa7: {  	s28 =	simm.s32 $_size_execute0_lowered;
	s3 =	sadd.s32 s3, s5;
	[dreg:$0x0] =	wrdreg $0x0  }
0xa8: {  	s5 =	sshll.u32 s28, $0x1;
	[dreg:$0x2] =	wrdreg s3  }
0xa9: {  	[dreg:$0x3] =	wrdreg s5  }
0xaa: {  	[dreg:$0x4] =	wrdreg $0xC0  }
0xab: {  	_ =	task [dreg:s7], $0x5FFFF  }
0xac: {  	[dreg:$0x1] =	wrdreg $0xFFFFFFFF  }
0xad: {  	[dreg:$0x0] =	wrdreg $0x60  }
0xae: {  	[dreg:$0x2] =	wrdreg s24  }
0xaf: {  	[dreg:$0x3] =	wrdreg s2  }
0xb0: {  	[dreg:$0x4] =	wrdreg $0x2B800  }
0xb1: {  	[dreg:$0x5] =	wrdreg $0x9  }
0xb2: {  	_ =	task.clear_ibuf [dreg:s7], $0x6FFFF;
	_ =	strace $0x90000046  }
0xb3: {  	s29 =	simm.s32 $0x9;
	_ =	strace $0x80000048  }
0xb4: {  	_ =	swait.ge [sflag:s29], $0x1  }
0xb5: {  	[sflag:s29] =	ssyncadd.s32 $0xFFFFFFFF  }
0xb6: {  	_ =	strace $0x90000048  }
0xb7: {  	_ =	sfence  }
0xb8: {  	s30 =	sld [smem:$0x0];
	_ =	sdelay $0x2  }
0xb9: {  	s31 =	sshll.u32 s1, $0xD;
	s1 =	sshrl.u32 s1, $0x2  }
0xba: {  	s3 =	sand.u32 $0x4000, s31;
	s1 =	sadd.s32 s1, s30  }
0xbb: {  	s0 =	sor.u32 s3, s0;
	s1 =	sshll.u32 s1, $0x11  }
0xbc: {  	s0 =	sor.u32 s1, s0  }
0xbd: {  	s0 =	sadd.s32 $0x8F2B, s0  }
0xbe: {  	[sflag:s0] =	ssyncadd.remote.s32 $0x1  }
0xbf: {  	_ =	sfence.sel $0xFFFF  }
0xc0: {  	[dreg:$0x0] =	wrdreg $0xFFFFFFFF;
	(pc) =	sbr.abs _section_cstart, $3  }
0xc1: {  	[dreg:$0x1] =	wrdreg $0xFFFFFFFF  }
0xc2: {  	_ =	task.clear_ibuf [dreg:s7], $0x2FFFF;
	_ =	strace $0x9FFFFFFF  }
0xc3: {  	(tm) =	ssettm $0x7FFFFFFF  }
tec
execute0_lowered:
.L_overlay_start_1:
0x0: {  	(tag) =	ssettag $0x1  }
0x1: {  	s6 =	rddreg [dreg:$0x0]  }
0x2: {  	s1 =	rddreg [dreg:$0x1]  }
0x3: {  	s3 =	rddreg [dreg:$0x2]  }
0x4: {  	s0 =	rddreg [dreg:$0x3];
	s4 =	simm.s32 $0x0;
	s5 =	srdreg.scid  }
0x5: {  	s2 =	stileid.u32;
	s13 =	simm.s32 $0x80;
	s14 =	simm.s32 $0x1  }
0x6: {  	s15 =	simm.s32 $0x0;
	s7 =	sand.u32 $0x1, s5;
	s8 =	smul.u32 $0x1400, s2  }
0x7: {  	s29 =	sshll.u32 s2, $0x1;
	[smem:$0x7FF] =	sst s4;
	s5 =	sadd.s32 $0x17400, s6  }
0x8: {  	s31 =	sshll.u32 s2, $0x6;
	s9 =	smul.u32 $0x14000, s7;
	s10 =	sor.u32 s7, s29  }
0x9: {  	p0 =	slt.u32 s2, $0xE;
	s7 =	ssub.s32 $0x2, s7;
	s11 =	smul.u32 $0x4E, s10  }
0xa: {  	_ =	strace $0x80000047;
	s10 =	smax.u32 s10, $0x1C;
	s30 =	sshrl.u32 s7, $0x1  }
0xb: {  	s12 =	sadd.s32 s8, s3;
	s9 =	sadd.s32 s8, s9;
	s10 =	sadd.s32 s11, s10  }
0xc: {  	s9 =	sshrl.u32 s9, $0x3;
	s11 =	ssub.s32 s7, s30;
	s10 =	sshll.u32 s10, $0x4  }
0xd: {  	s9 =	sadd.s32 s9, s6;
	s10 =	sadd.s32 s6, s10;
	s6 =	sor.u32 $0x1C02, s31  }
0xe: {  	s8 =	sadd.s32 $0x17600, s9;
	s9 =	smax.u32 s11, $0x1;
	s11 =	simm.s32 $0x2  }
0xf: {  	s7 =	sadd.s32 $0xD480, s10;
	s10 =	sshrl.u32 s12, $0x3;
	s12 =	simm.s32 $0x2780  }
.LBB2_1:
0x10: {  	[spmem:s10], [sflag:s6] =	dma.local [hbm:s1], $0x280  }
0x11: {  	_ =	swait.ge [sflag:s11], $0x280  }
0x12: {  	[sflag:s11] =	ssyncset.done $0x0  }
0x13: {  	[sflag:s11] =	ssyncadd.s32 $0xFFFFFD80  }
0x14: {  	[tilespmem:s12], [sflag:$0x2] =	stream.linear.gather [hbm4b:s5+s4], $0x400, $0x38;
	[tilespmem:$0x3F80] =	vst v63  }
0x15: {  	_ =	swait.ge [sflag:s11], $0x400  }
0x16: {  	[sflag:s11] =	ssyncset.done $0x0  }
0x17: {  	[sflag:s11] =	ssyncadd.s32 $0xFFFFFC00  }
0x18: {  	[tilespmem:s4], [sflag:$0x2] =	stream.linear.gather [hbm4b:s7+s4], $0x2780, $0x38;
	[tilespmem:$0x3F80] =	vst v63  }
0x19: {  	_ =	swait.ge [sflag:s11], $0x2780  }
0x1a: {  	[sflag:s11] =	ssyncset.done $0x0  }
0x1b: {  	[sflag:s11] =	ssyncadd.s32 $0xFFFFD880  }
0x1c: {  	[bflag:$0x0] =	sbarrier.arrive $0xFFFF  }
0x1d: {  	[spmem:s3] =	stream.indirect.scatter.add.f32 [tilespmem:s12], [sflag:$0x1], $0x8, s4, s13, $0xb8;
	[tilespmem:$0x3F80] =	vst v63  }
0x1e: {  	s16 =	simm.s32 $0x80  }
0x1f: {  	[spmem:s3] =	stream.indirect.scatter.add.f32 [tilespmem:s12], [sflag:$0x1], $0x8, s16, s13, $0xb8;
	[tilespmem:$0x3F80] =	vst v63  }
0x20: {  	_ =	swait.ge [sflag:s14], $0x400  }
0x21: {  	s16 =	simm.s32 $0x400;
	[sflag:s14] =	ssyncset.done $0x0  }
.LBB2_2:
0x22: {  	s17 =	sshra.s32 s16, $0x2;
	[sflag:s14] =	ssyncadd.s32 $0xFFFFFC00;
	p1 =	sne.s32 s16, $0x9A00  }
0x23: {  	[spmem:s3] =	stream.indirect.scatter.add.f32 [tilespmem:s12], [sflag:$0x1], $0x8, s17, s13, $0xb8;
	[tilespmem:$0x3F80] =	vst v63  }
.Ltmp0:
0x24: {  	_ = 	snop;
	(pc) =	sbr.rel @p1 .LBB2_2-.Ltmp0, $4  }
0x25: {  	_ = 	snop  }
0x26: {  	s16 =	sadd.s32 $0x200, s16  }
0x27: {  	_ =	swait.ge [sflag:s14], $0x400  }
0x28: {  	[sflag:s14] =	ssyncset.done $0x0  }
0x29: {  	[sflag:s14] =	ssyncadd.s32 $0xFFFFFC00  }
0x2a: {  	_ =	swait.ge [sflag:s14], $0x400  }
0x2b: {  	s16 =	simm.s32 @!p0 $0x80;
	[sflag:s14] =	ssyncset.done $0x0  }
0x2c: {  	s17 =	simm.s32 @!p0 $0x2700;
	s18 =	simm.s32 @!p0 $0x2780;
	[sflag:s14] =	ssyncadd.s32 $0xFFFFFC00  }
0x2d: {  	[spmem:s3] =	stream.indirect.scatter.add.f32 @!p0 [tilespmem:s18], [sflag:$0x1], $0x8, s17, s16, $0xb8;
	[tilespmem:$0x3F80] =	vst v63  }
0x2e: {  	s16 =	simm.s32 @!p0 $0x1  }
0x2f: {  	_ =	swait.ge @!p0 [sflag:s16], $0x400  }
0x30: {  	s15 =	sadd.s32 $0x1, s15;
	[sflag:s16] =	ssyncset.done @!p0 $0x0  }
0x31: {  	p1 =	sne.s32 s15, s9;
	[sflag:s16] =	ssyncadd.s32 @!p0 $0xFFFFFC00  }
.Ltmp1:
0x32: {  	[bflag:$0x0] =	sbarrier.arrive $0xFFFF;
	(pc) =	sbr.rel @p1 .LBB2_1-.Ltmp1, $4  }
0x33: {  	[hbm:s8], [sflag:s6] =	dma.local [spmem:s10], $0x280  }
0x34: {  	_ =	swait.ge [sflag:s11], $0x280  }
0x35: {  	[sflag:s11] =	ssyncset.done $0x0  }
0x36: {  	[sflag:s11] =	ssyncadd.s32 $0xFFFFFD80  }
0x37: {  	_ =	sfence.sel $0x180000  }
0x38: {  	[bflag:$0x0] =	sbarrier.arrive $0xFFFF  }
0x39: {  	p0 =	sne.s32 s2, $0x0;
	_ =	strace $0x90000047  }
0x3a: {  	s0 =	sadd.s32 @!p0 $0x100000, s0;
	[bflag:$0x2] =	sbarrier.arrive $0xFFFF  }
0x3b: {  	[sflag:s0] =	ssyncadd.tile.s32 @!p0 $0x1;
	_ =	shalt  }
.Lfunc_end2:
_tile_overlayer_lowered:
.L_overlay_start_2:
0x3c: {  	(tag) =	ssettag $0x2  }
0x3d: {  	s0 =	rddreg [dreg:$0x0];
	s2 =	stileid.u32  }
0x3e: {  	s1 =	rddreg [dreg:$0x1];
	p0 =	sne.s32 s2, $0x0  }
0x3f: {  	s3 =	rddreg [dreg:$0x2];
	[bflag:$0x3] =	sbarrier.arrive $0xFFFF;
	s2 =	simm.s32 @!p0 $0x1C02  }
0x40: {  	[timem:s3], [sflag:s2] =	dma.local @!p0 [hbm:s0], s1  }
0x41: {  	s0 =	simm.s32 @!p0 $0x2  }
0x42: {  	_ =	swait.ge @!p0 [sflag:s0], s1  }
0x43: {  	s1 =	ssub.s32 @!p0 $0x0, s1;
	[sflag:s0] =	ssyncset.done @!p0 $0x0  }
0x44: {  	[sflag:s0] =	ssyncadd.s32 @!p0 s1  }
0x45: {  	[bflag:$0x3] =	sbarrier.arrive $0xFFFF  }
0x46: {  	_ =	shalt  }

</sc_bundles>
